<compile_context>
chip_gen: v7x
topology: tpu7x:2x2x1
jax: 0.10.2.dev20260603
libtpu: 0.0.44.dev20260713+nightly
codegen_flags: <defaults>
</compile_context>

<pallas_src>
import jax
import jax.numpy as jnp
from jax.experimental import pallas as pl

SEQ_LEN = 4096
FREQ_TOPK = 20


def _sub_kernel(x_ref, y_ref, o_ref):
    o_ref[...] = x_ref[...] - y_ref[...]


def kernel(batch_x, W1, b1, W2, b2, W3, b3):
    x = batch_x
    xf = jnp.fft.rfft(x, axis=1)
    mag = jnp.abs(xf)
    mag_t = jnp.moveaxis(mag, 1, -1)
    _, idx = jax.lax.top_k(mag_t, FREQ_TOPK)
    indices = jnp.moveaxis(idx, -1, 1)
    B, F, N = xf.shape
    b_idx = jnp.arange(B)[:, None, None]
    n_idx = jnp.arange(N)[None, None, :]
    mask = jnp.zeros(xf.shape, dtype=xf.dtype).at[b_idx, indices, n_idx].set(1)
    xf_filtered = xf * mask
    x_filtered = jnp.fft.irfft(xf_filtered, n=x.shape[1], axis=1).real.astype(jnp.float32)

    out = pl.pallas_call(
        _sub_kernel,
        out_shape=jax.ShapeDtypeStruct(x.shape, x.dtype),
        grid=(x.shape[0],),
        in_specs=[
            pl.BlockSpec((1, SEQ_LEN, x.shape[2]), lambda b: (b, 0, 0)),
            pl.BlockSpec((1, SEQ_LEN, x.shape[2]), lambda b: (b, 0, 0)),
        ],
        out_specs=pl.BlockSpec((1, SEQ_LEN, x.shape[2]), lambda b: (b, 0, 0)),
    )(x, x_filtered)
    return out

# --- scband reference (transcript-rebuilt; emitter-appended) ---
"""Pipeline reference for scband-fan-16879221473692 (READ-ONLY COPY).

The authoritative reference and input builder live on the scoring server;
editing this copy changes nothing except your own understanding.
"""

import jax, jax.numpy as jnp
import numpy as np

SEQ_LEN = 4096
PRED_LEN = 720
ENC_IN = 256
FREQ_TOPK = 20
BATCH = 32


def setup_inputs(seed: int = 0) -> dict:
    key = jax.random.key(seed)
    ks = jax.random.split(key, 8)
    batch_x = jax.random.normal(ks[0], (BATCH, SEQ_LEN, ENC_IN), dtype=jnp.float32)
    # MLPfreq parameters (nn.Linear weights stored as (out, in), like torch)
    W1 = jax.random.normal(ks[1], (64, SEQ_LEN), dtype=jnp.float32) * 0.02
    b1 = jnp.zeros((64,), dtype=jnp.float32)
    W2 = jax.random.normal(ks[2], (128, 64 + SEQ_LEN), dtype=jnp.float32) * 0.02
    b2 = jnp.zeros((128,), dtype=jnp.float32)
    W3 = jax.random.normal(ks[3], (PRED_LEN, 128), dtype=jnp.float32) * 0.02
    b3 = jnp.zeros((PRED_LEN,), dtype=jnp.float32)
    return {"batch_x": batch_x, "W1": W1, "b1": b1, "W2": W2, "b2": b2, "W3": W3, "b3": b3}


def _main_freq_part(x, k):
    # x: (B, T, N); rfft over time axis
    xf = jnp.fft.rfft(x, axis=1)                 # (B, F, N) complex64
    mag = jnp.abs(xf)                            # (B, F, N)
    # top-k over frequency axis (axis=1): move to last axis for lax.top_k
    mag_t = jnp.moveaxis(mag, 1, -1)             # (B, N, F)
    _, idx = jax.lax.top_k(mag_t, k)             # (B, N, k)
    indices = jnp.moveaxis(idx, -1, 1)           # (B, k, N)
    B, F, N = xf.shape
    b_idx = jnp.arange(B)[:, None, None]
    n_idx = jnp.arange(N)[None, None, :]
    mask = jnp.zeros(xf.shape, dtype=xf.dtype).at[b_idx, indices, n_idx].set(1)
    xf_filtered = xf * mask
    x_filtered = jnp.fft.irfft(xf_filtered, n=x.shape[1], axis=1).real.astype(jnp.float32)
    norm_input = x - x_filtered
    return norm_input, x_filtered


def _mlp_freq(main_freq, x, W1, b1, W2, b2, W3, b3):
    # main_freq, x: (B, N, T)
    h = jax.nn.relu(main_freq @ W1.T + b1)       # (B, N, 64)
    inp = jnp.concatenate([h, x], axis=-1)       # (B, N, 64+T)
    h2 = jax.nn.relu(inp @ W2.T + b2)            # (B, N, 128)
    return h2 @ W3.T + b3                        # (B, N, pred_len)


def reference(batch_x, W1, b1, W2, b2, W3, b3):
    # FAN.forward(batch_x, mode='n') -> normalize
    norm_input, x_filtered = _main_freq_part(batch_x, FREQ_TOPK)
    # side computation (pred_main_freq_signal), computed but not returned by forward
    _pred = _mlp_freq(jnp.swapaxes(x_filtered, 1, 2), jnp.swapaxes(batch_x, 1, 2),
                      W1, b1, W2, b2, W3, b3)
    _pred = jnp.swapaxes(_pred, 1, 2)
    return norm_input.reshape(batch_x.shape)

if __name__ == "__main__":
    import jax
    _d = setup_inputs()
    print(jax.jit(kernel)(*tuple(_d.values())))

</pallas_src>

<mosaic_0001>
module attributes {stable_mosaic.version = 14 : i64} {
  func.func @_sub_kernel(%arg0: i32, %arg1: memref<1x4096x256xf32, #tpu.memory_space<vmem>>, %arg2: memref<1x4096x256xf32, #tpu.memory_space<vmem>>, %arg3: memref<1x4096x256xf32, #tpu.memory_space<vmem>>) attributes {dimension_semantics = [#tpu.dimension_semantics<arbitrary>], iteration_bounds = array<i64: 32>, scalar_prefetch = 0 : i64, scratch_operands = 0 : i64, tpu.core_type = #tpu.core_type<tc>, window_params = [{transform_indices = @transform_0, window_bounds = array<i64: 1, 4096, 256>}, {transform_indices = @transform_1, window_bounds = array<i64: 1, 4096, 256>}, {transform_indices = @transform_2, window_bounds = array<i64: 1, 4096, 256>}]} {
    %get3A = arith.constant 0 : index
    %get3A_0 = arith.constant 0 : index
    %get3A_1 = arith.constant 0 : index
    %get3A_2 = vector.load %arg1[%get3A, %get3A_0, %get3A_1] : memref<1x4096x256xf32, #tpu.memory_space<vmem>>, vector<1x4096x256xf32>
    %get3A_3 = arith.constant 0 : index
    %get3A_4 = arith.constant 0 : index
    %get3A_5 = arith.constant 0 : index
    %get3A_6 = vector.load %arg2[%get3A_3, %get3A_4, %get3A_5] : memref<1x4096x256xf32, #tpu.memory_space<vmem>>, vector<1x4096x256xf32>
    %sub3A = arith.subf %get3A_2, %get3A_6 : vector<1x4096x256xf32>
    %swap3A = arith.constant 0 : index
    %swap3A_7 = arith.constant 0 : index
    %swap3A_8 = arith.constant 0 : index
    %swap3A_9 = vector.load %arg3[%swap3A, %swap3A_7, %swap3A_8] : memref<1x4096x256xf32, #tpu.memory_space<vmem>>, vector<1x4096x256xf32>
    tpu.vector_store %arg3[%swap3A, %swap3A_7, %swap3A_8], %sub3A {strides = array<i32>} : memref<1x4096x256xf32, #tpu.memory_space<vmem>>, vector<1x4096x256xf32>,
    return
  }
  func.func @transform_0(%arg0: i32) -> (i32, i32, i32) {
    %c0_i32 = arith.constant 0 : i32
    %c0_i32_0 = arith.constant 0 : i32
    %c0_i32_1 = arith.constant 0 : i32
    return %arg0, %c0_i32, %c0_i32_0 : i32, i32, i32
  }
  func.func @transform_1(%arg0: i32) -> (i32, i32, i32) {
    %c0_i32 = arith.constant 0 : i32
    %c0_i32_0 = arith.constant 0 : i32
    %c0_i32_1 = arith.constant 0 : i32
    return %arg0, %c0_i32, %c0_i32_0 : i32, i32, i32
  }
  func.func @transform_2(%arg0: i32) -> (i32, i32, i32) {
    %c0_i32 = arith.constant 0 : i32
    %c0_i32_0 = arith.constant 0 : i32
    %c0_i32_1 = arith.constant 0 : i32
    return %arg0, %c0_i32, %c0_i32_0 : i32, i32, i32
  }
}

</mosaic_0001>

<sc_bundles>
// kernel: sparse-core-data-format-call.1.cloned.1.call-start
scs
called_computation.1_lowered:
.L_overlay_start_0:
0x0: {  	s1 =	sld [smem:$0x3FD9]  }
0x1: {  	s2 =	sld [smem:$0x3FFE];
	_ =	sdelay $0x1  }
0x2: {  	s3 =	srdreg.scid  }
0x3: {  	s0 =	sand.u32 $0x1, s3  }
0x4: {  	s17 =	sshll.u32 s0, $0xA;
	s1 =	sadd.s32 s2, s1  }
0x5: {  	s1 =	sadd.s32 s1, s17  }
0x6: {  	[smem:$0x3FC7] =	sst s1  }
0x7: {  	_ = 	snop  }
0x8: {  	(tm) =	ssettm $0x1  }
0x9: {  	s18 =	sld [smem:$0x3FFB];
	_ =	sdelay $0x3  }
0xa: {  	_ =	strace s18  }
0xb: {  	s1 =	sld [smem:$0x3FFC];
	_ =	sdelay $0x3  }
0xc: {  	_ =	strace s1  }
0xd: {  	s1 =	sld [smem:$0x3FFD];
	_ =	sdelay $0x3  }
0xe: {  	_ =	strace s1  }
0xf: {  	_ =	strace $0x8FFFFFFF  }
0x10: {  	s19 =	sld [smem:$0x3FDB];
	_ =	sdelay $0x1  }
0x11: {  	s20 =	simm.s32 $_scs_section_size  }
0x12: {  	s4 =	simm.s32 $_size__tile_overlayer_lowered;
	s5 =	simm.s32 $_tile_overlayer_lowered  }
0x13: {  	s23 =	simm.s32 $0x1BFF;
	s22 =	sshll.u32 s5, $0x1;
	s1 =	sadd.s32 s20, s19  }
0x14: {  	s6 =	simm.s32 $0x0;
	s21 =	sshll.u32 s4, $0x1;
	s4 =	sadd.s32 s22, s1  }
0x15: {  	[timem:s6], [sflag:s23] =	dma.local [hbm:s4], s21  }
0x16: {  	_ =	swait.ge [sflag:s23], s21  }
0x17: {  	s2 =	ssub.s32 $0x0, s21;
	[sflag:s23] =	ssyncset.done $0x0  }
0x18: {  	[sflag:s23] =	ssyncadd.s32 s2;
	_ =	sdelay $0x1  }
0x19: {  	s24 =	simm.s32 $0x1B8B  }
0x1a: {  	_ =	swait.ge [sflag:s24], $0x1  }
0x1b: {  	[sflag:s24] =	ssyncset.done $0x0  }
0x1c: {  	s26 =	simm.s32 $0x1B8E;
	s25 =	sld [smem:$0x3FFE];
	[sflag:s24] =	ssyncadd.s32 $0xFFFFFFFF  }
0x1d: {  	s27 =	simm.s32 $execute0_lowered;
	[smem:$0x3FD2] =	sst s26  }
0x1e: {  	s4 =	sshll.u32 s27, $0x1;
	_ =	strace $0x80000052;
	[dreg:$0x1] =	wrdreg $0xFFFFFFFF  }
0x1f: {  	s28 =	simm.s32 $_size_execute0_lowered;
	s1 =	sadd.s32 s1, s4;
	[dreg:$0x0] =	wrdreg $0x0  }
0x20: {  	s4 =	sshll.u32 s28, $0x1;
	[dreg:$0x2] =	wrdreg s1  }
0x21: {  	[dreg:$0x3] =	wrdreg s4  }
0x22: {  	[dreg:$0x4] =	wrdreg $0xC0  }
0x23: {  	_ =	task [dreg:s6], $0x5FFFF  }
0x24: {  	[dreg:$0x1] =	wrdreg $0xFFFFFFFF  }
0x25: {  	[dreg:$0x0] =	wrdreg $0x60  }
0x26: {  	[dreg:$0x2] =	wrdreg s25  }
0x27: {  	[dreg:$0x3] =	wrdreg $0x9  }
0x28: {  	_ =	task.clear_ibuf [dreg:s6], $0x4FFFF;
	_ =	strace $0x90000052  }
0x29: {  	s29 =	simm.s32 $0x9;
	_ =	strace $0x80000054  }
0x2a: {  	_ =	swait.ge [sflag:s29], $0x1  }
0x2b: {  	[sflag:s29] =	ssyncadd.s32 $0xFFFFFFFF  }
0x2c: {  	_ =	strace $0x90000054  }
0x2d: {  	_ =	sfence  }
0x2e: {  	s30 =	sld [smem:$0x0];
	_ =	sdelay $0x2  }
0x2f: {  	s31 =	sshll.u32 s3, $0xD;
	s3 =	sshrl.u32 s3, $0x2  }
0x30: {  	s2 =	sand.u32 $0x4000, s31;
	s1 =	sadd.s32 s3, s30  }
0x31: {  	s0 =	sor.u32 s2, s0;
	s1 =	sshll.u32 s1, $0x11  }
0x32: {  	s0 =	sor.u32 s1, s0  }
0x33: {  	s0 =	sadd.s32 $0x8F2B, s0  }
0x34: {  	[sflag:s0] =	ssyncadd.remote.s32 $0x1  }
0x35: {  	_ =	sfence.sel $0xFFFF  }
0x36: {  	[dreg:$0x0] =	wrdreg $0xFFFFFFFF;
	(pc) =	sbr.abs _section_cstart, $3  }
0x37: {  	[dreg:$0x1] =	wrdreg $0xFFFFFFFF  }
0x38: {  	_ =	task.clear_ibuf [dreg:s6], $0x2FFFF;
	_ =	strace $0x9FFFFFFF  }
0x39: {  	(tm) =	ssettm $0x7FFFFFFF  }
tec
execute0_lowered:
.L_overlay_start_1:
0x0: {  	(tag) =	ssettag $0x1  }
0x1: {  	s1 =	rddreg [dreg:$0x0]  }
0x2: {  	s0 =	rddreg [dreg:$0x1];
	_ =	strace $0x80000053  }
0x3: {  	s4 =	srdreg.scid;
	s6 =	simm.s32 $0x2;
	s13 =	simm.s32 $0x0  }
0x4: {  	p0 =	por $0x0, $0x0;
	s11 =	simm.s32 $0x0;
	s12 =	simm.s32 $0x0  }
.Ltmp0:
0x5: {  	s8 =	simm.s32 $0x0;
	s9 =	simm.s32 $0x0;
	(pc) =	sbr.rel .LBB1_1-.Ltmp0, $4  }
0x6: {  	s2 =	sadd.s32 $0x200000, s1;
	s3 =	sadd.s32 $0xA20000, s1;
	s4 =	sshll.u32 s4, $0x4  }
0x7: {  	s1 =	stileid.u32;
	s5 =	sand.u32 $0x10, s4;
	s4 =	simm.s32 $0x1  }
0x8: {  	s7 =	simm.s32 $0x0;
	s5 =	sor.u32 s1, s5;
	[sflag:s4] =	ssyncpa.u1 $0x0  }
0x9: {  	[sflag:s6] =	ssyncpa.u1 $0x0;
	s6 =	simm.s32 $0x800;
	s10 =	smov.u32 s5  }
.LBB1_5:
0xa: {  	s14 =	sadd.s32 $0x80, s8  }
0xb: {  	s11 =	sadd.s32 $0x80, s9;
	s15 =	smov.u32 s9;
	p2 =	sgt.s32 s14, $0xFFF  }
0xc: {  	s15 =	smov.u32 @p2 s11  }
0xd: {  	s17 =	smov.u32 s10;
	s11 =	sadd.s32 $0x20, s10;
	p3 =	sgt.s32 s15, $0xFF  }
0xe: {  	p1 =	slt.u32 s7, $0x2;
	s17 =	smov.u32 @p3 s11  }
0xf: {  	s7 =	sadd.s32 $0x1, s7;
	s14 =	simm.s32 @p2 $0x0;
	p2 =	sgt.s32 s17, $0x1F  }
0x10: {  	s17 =	smov.u32 @p2 s5;
	p2 =	sne.s32 s7, $0x42  }
.Ltmp1:
0x11: {  	s16 =	simm.s32 @!p1 $0x2;
	(pc) =	sbr.rel @!p2 .LBB1_6-.Ltmp1, $4  }
0x12: {  	s13 =	smov.u32 s8;
	_ =	swait.ge @!p1 [sflag:s16], $0x4000  }
0x13: {  	s12 =	smov.u32 s10;
	p0 =	por !p0, !p0;
	[sflag:s16] =	ssyncset.done @!p1 $0x0  }
0x14: {  	s8 =	smov.u32 s14;
	s15 =	simm.s32 @p3 $0x0;
	s11 =	smov.u32 s9  }
0x15: {  	[sflag:s16] =	ssyncadd.s32 @!p1 $0xFFFFC000;
	s9 =	smov.u32 s15;
	s10 =	smov.u32 s17  }
.LBB1_1:
0x16: {  	p1 =	sgt.u32 s7, $0x3F  }
0x17: {  	s14 =	sxor.u32 @!p1 $0xFFFFFFFF, s7;
	s15 =	sand.u32 @!p1 $0x78, s8;
	s16 =	sshll.u32 @!p1 s9, $0xC  }
0x18: {  	s17 =	sshll.u32 @!p1 s9, $0x7;
	s18 =	sshll.u32 @!p1 s8, $0x3;
	s14 =	sshll.u32 @!p1 s14, $0xE  }
0x19: {  	s16 =	sand.u32 @!p1 $0xF8000, s16;
	s17 =	sand.u32 @!p1 $0x380, s17;
	s14 =	sand.u32 @!p1 $0x4000, s14  }
0x1a: {  	s16 =	sadd.s32 @!p1 s16, s18;
	s18 =	sand.u32 @!p1 $0xC00, s18;
	s15 =	sor.u32 @!p1 s17, s15  }
0x1b: {  	s17 =	sshll.u32 @!p1 s10, $0x11;
	s15 =	sor.u32 @!p1 s18, s15;
	s16 =	sshrl.u32 @!p1 s16, $0x3  }
0x1c: {  	s17 =	sadd.s32 @!p1 s2, s17;
	s18 =	sand.u32 @!p1 $0x7, s8;
	s16 =	sand.u32 @!p1 $0x1FE00, s16  }
0x1d: {  	s15 =	sshrl.u32 @!p1 s15, $0x3;
	s16 =	sadd.s32 @!p1 s16, s17;
	s17 =	sshll.u32 @!p1 s18, $0x12  }
0x1e: {  	s15 =	sadd.s32 @!p1 s15, s16;
	s16 =	sor.u32 @!p1 $0x400, s17;
	s17 =	simm.s32 @!p1 $0x8000  }
0x1f: {  	[tilespmem:s14], [sflag:$0x1] =	stream.strided.gather @!p1 [hbm4b:s15+s16], $0x4000, s17, s16, $0x38;
	[tilespmem:$0x10100] =	vst v63  }
0x20: {  	p1 =	seq.s32 s7, $0x0  }
0x21: {  	p2 =	seq.s32 @!p1 s7, $0x41  }
0x22: {  	p1 =	por p1, p2  }
.Ltmp2:
0x23: {  	_ = 	snop;
	(pc) =	sbr.rel @p1 .LBB1_5-.Ltmp2, $1  }
0x24: {  	_ =	sdelay $0x3  }
0x25: {  	s14 =	simm.s32 $0x1  }
0x26: {  	_ =	swait.ge [sflag:s4], $0x4000;
	s14 =	simm.s32 @!p0 $0x0  }
0x27: {  	[sflag:s4] =	ssyncset.done $0x0;
	s15 =	sshll.u32 s14, $0xE  }
0x28: {  	[sflag:s4] =	ssyncadd.s32 $0xFFFFC000;
	s16 =	sor.u32 $0x40, s15  }
0x29: {  	s14 =	smul.u32 $0x10200, s14;
	v0 =	vld [tilespmem:s16+$0x30]  }
0x2a: {  	v3 =	vld [tilespmem:s16+$0xFFFFFFD0]  }
0x2b: {  	s14 =	sshrl.u32 s14, $0x2;
	v4 =	vld [tilespmem:s16+$0xFFFFFFE0]  }
0x2c: {  	v5 =	vld [tilespmem:s16+$0xFFFFFFF0];
	s15 =	sor.u32 $0x8000, s14  }
0x2d: {  	s31 =	sand.u32 $0x1, s7;
	v1 =	vld [tilespmem:s16+$0x0];
	s17 =	sadd.s32 $0x0, s15  }
0x2e: {  	v2 =	vld [tilespmem:s16+$0x10];
	s14 =	smul.u32 $0x10200, s31;
	[tilespmem:s17+$0x3870 ss:$0x81] =	vst.msk $0xffff, v0  }
0x2f: {  	[tilespmem:s17+$0x810 ss:$0x81] =	vst.msk $0xffff, v3;
	v3 =	vld [tilespmem:s16+$0x20]  }
0x30: {  	s14 =	sshrl.u32 s14, $0x2;
	v0 =	vld [tilespmem:s16+$0xFFFFFFC0];
	[tilespmem:s17+$0x1020 ss:$0x81] =	vst.msk $0xffff, v4;
	s16 =	sadd.s32 $0x80, s16  }
0x31: {  	s18 =	simm.s32 $0x4;
	s19 =	simm.s32 $0x8;
	s14 =	sor.u32 $0x8000, s14;
	[tilespmem:s17+$0x1830 ss:$0x81] =	vst.msk $0xffff, v5;
	v4 =	vld [tilespmem:s16+$0x30]  }
.LBB1_3:
0x32: {  	p1 =	sne.s32 s19, $0x1FC;
	v5 =	vld [tilespmem:s16+$0xFFFFFFD0];
	[tilespmem:s17+$0x2040 ss:$0x81] =	vst.msk $0xffff, v1  }
0x33: {  	v6 =	vld [tilespmem:s16+$0xFFFFFFE0];
	[tilespmem:s17+$0x2850 ss:$0x81] =	vst.msk $0xffff, v2  }
0x34: {  	s20 =	sshra.s32 s18, $0x2;
	s18 =	smov.u32 s19;
	v7 =	vld [tilespmem:s16+$0xFFFFFFF0];
	[tilespmem:s17+$0x3060 ss:$0x81] =	vst.msk $0xffff, v3  }
.Ltmp3:
0x35: {  	v1 =	vld [tilespmem:s16+$0x0];
	[tilespmem:s17+$0x0 ss:$0x81] =	vst.msk $0xffff, v0;
	s17 =	sadd.s32 s20, s15;
	(pc) =	sbr.rel @p1 .LBB1_3-.Ltmp3, $4  }
0x36: {  	v2 =	vld [tilespmem:s16+$0x10];
	[tilespmem:s17+$0x3870 ss:$0x81] =	vst.msk $0xffff, v4  }
0x37: {  	[tilespmem:s17+$0x810 ss:$0x81] =	vst.msk $0xffff, v5;
	v3 =	vld [tilespmem:s16+$0x20]  }
0x38: {  	v0 =	vld [tilespmem:s16+$0xFFFFFFC0];
	[tilespmem:s17+$0x1020 ss:$0x81] =	vst.msk $0xffff, v6;
	s16 =	sadd.s32 $0x80, s16  }
0x39: {  	s19 =	sadd.s32 $0x4, s19;
	v4 =	vld [tilespmem:s16+$0x30];
	[tilespmem:s17+$0x1830 ss:$0x81] =	vst.msk $0xffff, v7  }
0x3a: {  	v5 =	vld [tilespmem:s16+$0xFFFFFFD0];
	[tilespmem:s17+$0x2040 ss:$0x81] =	vst.msk $0xffff, v1  }
0x3b: {  	v58 =	vld [tilespmem:s16+$0xFFFFFFE0];
	[tilespmem:s17+$0x2850 ss:$0x81] =	vst.msk $0xffff, v2  }
0x3c: {  	s18 =	sshra.s32 s18, $0x2;
	v59 =	vld [tilespmem:s16+$0xFFFFFFF0];
	[tilespmem:s17+$0x3060 ss:$0x81] =	vst.msk $0xffff, v3  }
0x3d: {  	v60 =	vld [tilespmem:s16+$0x0];
	s15 =	sadd.s32 s18, s15;
	[tilespmem:s17+$0x0 ss:$0x81] =	vst.msk $0xffff, v0  }
0x3e: {  	v61 =	vld [tilespmem:s16+$0x10];
	s25 =	sshll.u32 s13, $0x8;
	s26 =	sshll.u32 s11, $0x3;
	[tilespmem:s15+$0x3870 ss:$0x81] =	vst.msk $0xffff, v4  }
0x3f: {  	v62 =	vld [tilespmem:s16+$0x20];
	s27 =	sshll.u32 s13, $0x7;
	s30 =	sand.u32 $0x78, s11;
	s12 =	sshll.u32 s12, $0x11;
	[tilespmem:s15+$0x810 ss:$0x81] =	vst.msk $0xffff, v5  }
0x40: {  	v63 =	vld [tilespmem:s16+$0xFFFFFFC0];
	s31 =	sand.u32 $0x7, s11;
	s18 =	sand.u32 $0xFFC00, s26;
	s17 =	sand.u32 $0xFF800, s25;
	[tilespmem:s15+$0x1020 ss:$0x81] =	vst.msk $0xffff, v58  }
0x41: {  	s29 =	sand.u32 $0x300, s27;
	s13 =	sand.u32 $0x80, s27;
	s28 =	sadd.s32 s18, s17;
	[tilespmem:s15+$0x1830 ss:$0x81] =	vst.msk $0xffff, v59  }
.Ltmp4:
0x42: {  	s13 =	sor.u32 s30, s13;
	s16 =	sor.u32 s29, s28;
	[tilespmem:s15+$0x2040 ss:$0x81] =	vst.msk $0xffff, v60;
	(pc) =	sbr.rel .LBB1_5-.Ltmp4, $4  }
0x43: {  	s12 =	sadd.s32 s3, s12;
	s13 =	sshrl.u32 s13, $0x3;
	[tilespmem:s15+$0x2850 ss:$0x81] =	vst.msk $0xffff, v61;
	s16 =	sshrl.u32 s16, $0x3  }
0x44: {  	s11 =	sshll.u32 s31, $0x12;
	s12 =	sadd.s32 s13, s12;
	[tilespmem:s15+$0x3060 ss:$0x81] =	vst.msk $0xffff, v62;
	s16 =	sand.u32 $0x1FFE0, s16  }
0x45: {  	s11 =	sor.u32 $0x400, s11;
	[tilespmem:s15+$0x0 ss:$0x81] =	vst.msk $0xffff, v63;
	s12 =	sadd.s32 s16, s12  }
0x46: {  	[hbm4b:s12+s11] =	stream.strided.scatter [tilespmem:s14], [sflag:$0x2], $0x4000, s6, s11, $0x20;
	[tilespmem:$0x10100] =	vst v63  }
.LBB1_6:
0x47: {  	_ =	sfence.sel $0x180000  }
0x48: {  	s2 =	simm.s32 $0x1;
	[bflag:$0x0] =	sbarrier.arrive $0xFFFF  }
0x49: {  	s31 =	simm.s32 $0x2;
	[sflag:s2] =	ssyncpa.u1 $0x1  }
0x4a: {  	[sflag:s31] =	ssyncpa.u1 $0x1  }
0x4b: {  	p0 =	sne.s32 s1, $0x0;
	_ =	strace $0x90000053  }
0x4c: {  	s0 =	sadd.s32 @!p0 $0x100000, s0;
	[bflag:$0x2] =	sbarrier.arrive $0xFFFF  }
0x4d: {  	[sflag:s0] =	ssyncadd.tile.s32 @!p0 $0x1;
	_ =	shalt  }
.Lfunc_end1:
_tile_overlayer_lowered:
.L_overlay_start_2:
0x4e: {  	(tag) =	ssettag $0x2  }
0x4f: {  	s0 =	rddreg [dreg:$0x0];
	s2 =	stileid.u32  }
0x50: {  	s1 =	rddreg [dreg:$0x1];
	p0 =	sne.s32 s2, $0x0  }
0x51: {  	s3 =	rddreg [dreg:$0x2];
	[bflag:$0x3] =	sbarrier.arrive $0xFFFF;
	s2 =	simm.s32 @!p0 $0x1C01  }
0x52: {  	[timem:s3], [sflag:s2] =	dma.local @!p0 [hbm:s0], s1  }
0x53: {  	s0 =	simm.s32 @!p0 $0x1  }
0x54: {  	_ =	swait.ge @!p0 [sflag:s0], s1  }
0x55: {  	s1 =	ssub.s32 @!p0 $0x0, s1;
	[sflag:s0] =	ssyncset.done @!p0 $0x0  }
0x56: {  	[sflag:s0] =	ssyncadd.s32 @!p0 s1  }
0x57: {  	[bflag:$0x3] =	sbarrier.arrive $0xFFFF  }
0x58: {  	_ =	shalt  }

// kernel: sparse-core-data-format-call.2.cloned.1.call-start
scs
called_computation.2_lowered:
.L_overlay_start_0:
0x0: {  	s2 =	sld [smem:$0x3FD9]  }
0x1: {  	s3 =	sld [smem:$0x3FFE];
	_ =	sdelay $0x1  }
0x2: {  	s1 =	srdreg.scid  }
0x3: {  	s0 =	sand.u32 $0x1, s1  }
0x4: {  	s18 =	sshll.u32 s0, $0xA;
	s2 =	sadd.s32 s3, s2  }
0x5: {  	s2 =	sadd.s32 s2, s18  }
0x6: {  	[smem:$0x3FC7] =	sst s2  }
0x7: {  	_ = 	snop  }
0x8: {  	s19 =	sld [smem:$0x3FD0];
	(tm) =	ssettm $0x1  }
0x9: {  	s20 =	sld [smem:$0x3FFB];
	_ =	sdelay $0x3  }
0xa: {  	_ =	strace s20  }
0xb: {  	s2 =	sld [smem:$0x3FFC];
	_ =	sdelay $0x3  }
0xc: {  	_ =	strace s2  }
0xd: {  	s2 =	sld [smem:$0x3FFD];
	_ =	sdelay $0x3  }
0xe: {  	_ =	strace s2  }
0xf: {  	_ =	strace $0x8FFFFFFF  }
0x10: {  	s21 =	sld [smem:$0x3FDB];
	_ =	sdelay $0x1  }
0x11: {  	s4 =	simm.s32 $_scs_section_size  }
0x12: {  	s5 =	simm.s32 $_size__tile_overlayer_lowered;
	s6 =	simm.s32 $_tile_overlayer_lowered  }
0x13: {  	s7 =	simm.s32 $0x1BFF;
	s22 =	sshll.u32 s6, $0x1;
	s4 =	sadd.s32 s4, s21  }
0x14: {  	s23 =	simm.s32 $0x0;
	s5 =	sshll.u32 s5, $0x1;
	s6 =	sadd.s32 s22, s4  }
0x15: {  	[timem:s23], [sflag:s7] =	dma.local [hbm:s6], s5  }
0x16: {  	_ =	swait.ge [sflag:s7], s5  }
0x17: {  	s5 =	ssub.s32 $0x0, s5;
	[sflag:s7] =	ssyncset.done $0x0  }
0x18: {  	[sflag:s7] =	ssyncadd.s32 s5;
	_ =	sdelay $0x1  }
0x19: {  	s24 =	simm.s32 $0x1B8B  }
0x1a: {  	_ =	swait.ge [sflag:s24], $0x1  }
0x1b: {  	[sflag:s24] =	ssyncset.done $0x0  }
0x1c: {  	[sflag:s24] =	ssyncadd.s32 $0xFFFFFFFF  }
0x1d: {  	s5 =	sld [smem:$0x0]  }
0x1e: {  	s6 =	sand.u32 $0xFFFFFFFE, s1  }
0x1f: {  	p0 =	sne.s32 s1, s6  }
0x20: {  	s6 =	sshll.u32 @p0 s6, $0xE  }
0x21: {  	s6 =	sadd.s32 @p0 $0x11B8D, s6;
	s7 =	sshll.u32 @p0 s5, $0x11  }
0x22: {  	s6 =	sor.u32 @p0 s7, s6  }
0x23: {  	[sflag:s6] =	ssyncadd.remote.s32 @p0 $0x1;
	_ =	sdelay $0x1  }
0x24: {  	s6 =	simm.s32 @p0 $0x1B8D  }
0x25: {  	_ =	swait.eq @p0 [sflag:s6], $0x1  }
0x26: {  	[sflag:s6] =	ssyncadd.s32 @p0 $0xFFFFFFFF  }
0x27: {  	s7 =	sshll.u32 @!p0 s1, $0xE  }
0x28: {  	s7 =	sor.u32 @!p0 $0x4000, s7;
	s6 =	simm.s32 @!p0 $0x1B8D  }
0x29: {  	s5 =	sshll.u32 @!p0 s5, $0x11;
	s7 =	sadd.s32 @!p0 $0x11B8D, s7;
	_ =	swait.eq @!p0 [sflag:s6], $0x1  }
0x2a: {  	s5 =	sor.u32 @!p0 s5, s7;
	[sflag:s6] =	ssyncadd.s32 @!p0 $0xFFFFFFFF  }
0x2b: {  	s26 =	simm.s32 $0x1B8E;
	s25 =	sld [smem:$0x3FFE];
	[sflag:s5] =	ssyncadd.remote.s32 @!p0 $0x1  }
0x2c: {  	s27 =	simm.s32 $execute0_lowered;
	[smem:$0x3FD2] =	sst s26  }
0x2d: {  	s6 =	sshll.u32 s27, $0x1;
	_ =	strace $0x80000055;
	[dreg:$0x1] =	wrdreg $0xFFFFFFFF  }
0x2e: {  	s28 =	simm.s32 $_size_execute0_lowered;
	s4 =	sadd.s32 s4, s6;
	[dreg:$0x0] =	wrdreg $0x0  }
0x2f: {  	s6 =	sshll.u32 s28, $0x1;
	[dreg:$0x2] =	wrdreg s4  }
0x30: {  	[dreg:$0x3] =	wrdreg s6  }
0x31: {  	[dreg:$0x4] =	wrdreg $0xC0  }
0x32: {  	_ =	task [dreg:s23], $0x5FFFF  }
0x33: {  	[dreg:$0x1] =	wrdreg $0xFFFFFFFF  }
0x34: {  	[dreg:$0x0] =	wrdreg $0x60  }
0x35: {  	[dreg:$0x2] =	wrdreg s19  }
0x36: {  	[dreg:$0x3] =	wrdreg s25  }
0x37: {  	[dreg:$0x4] =	wrdreg $0xA  }
0x38: {  	_ =	task.clear_ibuf [dreg:s23], $0x5FFFF;
	_ =	strace $0x90000055  }
0x39: {  	s29 =	simm.s32 $0xA;
	_ =	strace $0x80000057  }
0x3a: {  	_ =	swait.ge [sflag:s29], $0x1  }
0x3b: {  	[sflag:s29] =	ssyncadd.s32 $0xFFFFFFFF  }
0x3c: {  	_ =	strace $0x90000057  }
0x3d: {  	_ =	sfence  }
0x3e: {  	s30 =	sld [smem:$0x0];
	_ =	sdelay $0x2  }
0x3f: {  	s31 =	sshll.u32 s1, $0xD;
	s1 =	sshrl.u32 s1, $0x2  }
0x40: {  	s4 =	sand.u32 $0x4000, s31;
	s1 =	sadd.s32 s1, s30  }
0x41: {  	s0 =	sor.u32 s4, s0;
	s1 =	sshll.u32 s1, $0x11  }
0x42: {  	s0 =	sor.u32 s1, s0  }
0x43: {  	s0 =	sadd.s32 $0x8F2B, s0  }
0x44: {  	[sflag:s0] =	ssyncadd.remote.s32 $0x1  }
0x45: {  	_ =	sfence.sel $0xFFFF  }
0x46: {  	[dreg:$0x0] =	wrdreg $0xFFFFFFFF;
	(pc) =	sbr.abs _section_cstart, $3  }
0x47: {  	[dreg:$0x1] =	wrdreg $0xFFFFFFFF  }
0x48: {  	_ =	task.clear_ibuf [dreg:s23], $0x2FFFF;
	_ =	strace $0x9FFFFFFF  }
0x49: {  	(tm) =	ssettm $0x7FFFFFFF  }
tec
execute0_lowered:
.L_overlay_start_1:
0x0: {  	(tag) =	ssettag $0x1  }
0x1: {  	s2 =	rddreg [dreg:$0x0]  }
0x2: {  	s1 =	rddreg [dreg:$0x1]  }
0x3: {  	s0 =	rddreg [dreg:$0x2]  }
0x4: {  	s4 =	srdreg.scid;
	_ =	strace $0x80000056;
	s6 =	simm.s32 $0x2  }
0x5: {  	s13 =	simm.s32 $0x0;
	p0 =	por $0x0, $0x0;
	s11 =	simm.s32 $0x0  }
.Ltmp0:
0x6: {  	s12 =	simm.s32 $0x0;
	s8 =	simm.s32 $0x0;
	(pc) =	sbr.rel .LBB1_1-.Ltmp0, $4  }
0x7: {  	s9 =	simm.s32 $0x0;
	s3 =	sadd.s32 $0x600000, s1;
	s4 =	sshll.u32 s4, $0x4  }
0x8: {  	s1 =	stileid.u32;
	s5 =	sand.u32 $0x10, s4;
	s4 =	simm.s32 $0x1  }
0x9: {  	s7 =	simm.s32 $0x0;
	s5 =	sor.u32 s1, s5;
	[sflag:s4] =	ssyncpa.u1 $0x0  }
0xa: {  	[sflag:s6] =	ssyncpa.u1 $0x0;
	s6 =	simm.s32 $0x800;
	s10 =	smov.u32 s5  }
.LBB1_5:
0xb: {  	s14 =	sadd.s32 $0x80, s8  }
0xc: {  	s11 =	sadd.s32 $0x80, s9;
	s15 =	smov.u32 s9;
	p2 =	sgt.s32 s14, $0xFFF  }
0xd: {  	s15 =	smov.u32 @p2 s11  }
0xe: {  	s17 =	smov.u32 s10;
	s11 =	sadd.s32 $0x20, s10;
	p3 =	sgt.s32 s15, $0xFF  }
0xf: {  	p1 =	slt.u32 s7, $0x2;
	s17 =	smov.u32 @p3 s11  }
0x10: {  	s7 =	sadd.s32 $0x1, s7;
	s14 =	simm.s32 @p2 $0x0;
	p2 =	sgt.s32 s17, $0x1F  }
0x11: {  	s17 =	smov.u32 @p2 s5;
	p2 =	sne.s32 s7, $0x42  }
.Ltmp1:
0x12: {  	s16 =	simm.s32 @!p1 $0x2;
	(pc) =	sbr.rel @!p2 .LBB1_6-.Ltmp1, $4  }
0x13: {  	s13 =	smov.u32 s8;
	_ =	swait.ge @!p1 [sflag:s16], $0x4000  }
0x14: {  	s12 =	smov.u32 s10;
	p0 =	por !p0, !p0;
	[sflag:s16] =	ssyncset.done @!p1 $0x0  }
0x15: {  	s8 =	smov.u32 s14;
	s15 =	simm.s32 @p3 $0x0;
	s11 =	smov.u32 s9  }
0x16: {  	[sflag:s16] =	ssyncadd.s32 @!p1 $0xFFFFC000;
	s9 =	smov.u32 s15;
	s10 =	smov.u32 s17  }
.LBB1_1:
0x17: {  	p1 =	sgt.u32 s7, $0x3F  }
0x18: {  	s14 =	sxor.u32 @!p1 $0xFFFFFFFF, s7;
	s15 =	sand.u32 @!p1 $0x78, s8;
	s16 =	sshll.u32 @!p1 s9, $0xC  }
0x19: {  	s17 =	sshll.u32 @!p1 s9, $0x7;
	s18 =	sshll.u32 @!p1 s8, $0x3;
	s14 =	sshll.u32 @!p1 s14, $0xE  }
0x1a: {  	s16 =	sand.u32 @!p1 $0xF8000, s16;
	s17 =	sand.u32 @!p1 $0x380, s17;
	s14 =	sand.u32 @!p1 $0x4000, s14  }
0x1b: {  	s16 =	sadd.s32 @!p1 s16, s18;
	s18 =	sand.u32 @!p1 $0xC00, s18;
	s15 =	sor.u32 @!p1 s17, s15  }
0x1c: {  	s17 =	sshll.u32 @!p1 s10, $0x11;
	s15 =	sor.u32 @!p1 s18, s15;
	s16 =	sshrl.u32 @!p1 s16, $0x3  }
0x1d: {  	s17 =	sadd.s32 @!p1 s2, s17;
	s18 =	sand.u32 @!p1 $0x7, s8;
	s16 =	sand.u32 @!p1 $0x1FE00, s16  }
0x1e: {  	s15 =	sshrl.u32 @!p1 s15, $0x3;
	s16 =	sadd.s32 @!p1 s16, s17;
	s17 =	sshll.u32 @!p1 s18, $0x12  }
0x1f: {  	s15 =	sadd.s32 @!p1 s15, s16;
	s16 =	sor.u32 @!p1 $0x400, s17;
	s17 =	simm.s32 @!p1 $0x8000  }
0x20: {  	[tilespmem:s14], [sflag:$0x1] =	stream.strided.gather @!p1 [hbm4b:s15+s16], $0x4000, s17, s16, $0x38;
	[tilespmem:$0x10100] =	vst v63  }
0x21: {  	p1 =	seq.s32 s7, $0x0  }
0x22: {  	p2 =	seq.s32 @!p1 s7, $0x41  }
0x23: {  	p1 =	por p1, p2  }
.Ltmp2:
0x24: {  	_ = 	snop;
	(pc) =	sbr.rel @p1 .LBB1_5-.Ltmp2, $1  }
0x25: {  	_ =	sdelay $0x3  }
0x26: {  	s14 =	simm.s32 $0x1  }
0x27: {  	_ =	swait.ge [sflag:s4], $0x4000;
	s14 =	simm.s32 @!p0 $0x0  }
0x28: {  	[sflag:s4] =	ssyncset.done $0x0;
	s15 =	sshll.u32 s14, $0xE  }
0x29: {  	[sflag:s4] =	ssyncadd.s32 $0xFFFFC000;
	s16 =	sor.u32 $0x40, s15  }
0x2a: {  	s14 =	smul.u32 $0x10200, s14;
	v0 =	vld [tilespmem:s16+$0x30]  }
0x2b: {  	v3 =	vld [tilespmem:s16+$0xFFFFFFD0]  }
0x2c: {  	s14 =	sshrl.u32 s14, $0x2;
	v4 =	vld [tilespmem:s16+$0xFFFFFFE0]  }
0x2d: {  	v5 =	vld [tilespmem:s16+$0xFFFFFFF0];
	s15 =	sor.u32 $0x8000, s14  }
0x2e: {  	s31 =	sand.u32 $0x1, s7;
	v1 =	vld [tilespmem:s16+$0x0];
	s17 =	sadd.s32 $0x0, s15  }
0x2f: {  	v2 =	vld [tilespmem:s16+$0x10];
	s14 =	smul.u32 $0x10200, s31;
	[tilespmem:s17+$0x3870 ss:$0x81] =	vst.msk $0xffff, v0  }
0x30: {  	[tilespmem:s17+$0x810 ss:$0x81] =	vst.msk $0xffff, v3;
	v3 =	vld [tilespmem:s16+$0x20]  }
0x31: {  	s14 =	sshrl.u32 s14, $0x2;
	v0 =	vld [tilespmem:s16+$0xFFFFFFC0];
	[tilespmem:s17+$0x1020 ss:$0x81] =	vst.msk $0xffff, v4;
	s16 =	sadd.s32 $0x80, s16  }
0x32: {  	s18 =	simm.s32 $0x4;
	s19 =	simm.s32 $0x8;
	s14 =	sor.u32 $0x8000, s14;
	[tilespmem:s17+$0x1830 ss:$0x81] =	vst.msk $0xffff, v5;
	v4 =	vld [tilespmem:s16+$0x30]  }
.LBB1_3:
0x33: {  	p1 =	sne.s32 s19, $0x1FC;
	v5 =	vld [tilespmem:s16+$0xFFFFFFD0];
	[tilespmem:s17+$0x2040 ss:$0x81] =	vst.msk $0xffff, v1  }
0x34: {  	v6 =	vld [tilespmem:s16+$0xFFFFFFE0];
	[tilespmem:s17+$0x2850 ss:$0x81] =	vst.msk $0xffff, v2  }
0x35: {  	s20 =	sshra.s32 s18, $0x2;
	s18 =	smov.u32 s19;
	v7 =	vld [tilespmem:s16+$0xFFFFFFF0];
	[tilespmem:s17+$0x3060 ss:$0x81] =	vst.msk $0xffff, v3  }
.Ltmp3:
0x36: {  	v1 =	vld [tilespmem:s16+$0x0];
	[tilespmem:s17+$0x0 ss:$0x81] =	vst.msk $0xffff, v0;
	s17 =	sadd.s32 s20, s15;
	(pc) =	sbr.rel @p1 .LBB1_3-.Ltmp3, $4  }
0x37: {  	v2 =	vld [tilespmem:s16+$0x10];
	[tilespmem:s17+$0x3870 ss:$0x81] =	vst.msk $0xffff, v4  }
0x38: {  	[tilespmem:s17+$0x810 ss:$0x81] =	vst.msk $0xffff, v5;
	v3 =	vld [tilespmem:s16+$0x20]  }
0x39: {  	v0 =	vld [tilespmem:s16+$0xFFFFFFC0];
	[tilespmem:s17+$0x1020 ss:$0x81] =	vst.msk $0xffff, v6;
	s16 =	sadd.s32 $0x80, s16  }
0x3a: {  	s19 =	sadd.s32 $0x4, s19;
	v4 =	vld [tilespmem:s16+$0x30];
	[tilespmem:s17+$0x1830 ss:$0x81] =	vst.msk $0xffff, v7  }
0x3b: {  	v5 =	vld [tilespmem:s16+$0xFFFFFFD0];
	[tilespmem:s17+$0x2040 ss:$0x81] =	vst.msk $0xffff, v1  }
0x3c: {  	v58 =	vld [tilespmem:s16+$0xFFFFFFE0];
	[tilespmem:s17+$0x2850 ss:$0x81] =	vst.msk $0xffff, v2  }
0x3d: {  	s18 =	sshra.s32 s18, $0x2;
	v59 =	vld [tilespmem:s16+$0xFFFFFFF0];
	[tilespmem:s17+$0x3060 ss:$0x81] =	vst.msk $0xffff, v3  }
0x3e: {  	v60 =	vld [tilespmem:s16+$0x0];
	s15 =	sadd.s32 s18, s15;
	[tilespmem:s17+$0x0 ss:$0x81] =	vst.msk $0xffff, v0  }
0x3f: {  	v61 =	vld [tilespmem:s16+$0x10];
	s25 =	sshll.u32 s13, $0x8;
	s26 =	sshll.u32 s11, $0x3;
	[tilespmem:s15+$0x3870 ss:$0x81] =	vst.msk $0xffff, v4  }
0x40: {  	v62 =	vld [tilespmem:s16+$0x20];
	s27 =	sshll.u32 s13, $0x7;
	s30 =	sand.u32 $0x78, s11;
	s12 =	sshll.u32 s12, $0x11;
	[tilespmem:s15+$0x810 ss:$0x81] =	vst.msk $0xffff, v5  }
0x41: {  	v63 =	vld [tilespmem:s16+$0xFFFFFFC0];
	s31 =	sand.u32 $0x7, s11;
	s18 =	sand.u32 $0xFFC00, s26;
	s17 =	sand.u32 $0xFF800, s25;
	[tilespmem:s15+$0x1020 ss:$0x81] =	vst.msk $0xffff, v58  }
0x42: {  	s29 =	sand.u32 $0x300, s27;
	s13 =	sand.u32 $0x80, s27;
	s28 =	sadd.s32 s18, s17;
	[tilespmem:s15+$0x1830 ss:$0x81] =	vst.msk $0xffff, v59  }
.Ltmp4:
0x43: {  	s13 =	sor.u32 s30, s13;
	s16 =	sor.u32 s29, s28;
	[tilespmem:s15+$0x2040 ss:$0x81] =	vst.msk $0xffff, v60;
	(pc) =	sbr.rel .LBB1_5-.Ltmp4, $4  }
0x44: {  	s12 =	sadd.s32 s3, s12;
	s13 =	sshrl.u32 s13, $0x3;
	[tilespmem:s15+$0x2850 ss:$0x81] =	vst.msk $0xffff, v61;
	s16 =	sshrl.u32 s16, $0x3  }
0x45: {  	s11 =	sshll.u32 s31, $0x12;
	s12 =	sadd.s32 s13, s12;
	[tilespmem:s15+$0x3060 ss:$0x81] =	vst.msk $0xffff, v62;
	s16 =	sand.u32 $0x1FFE0, s16  }
0x46: {  	s11 =	sor.u32 $0x400, s11;
	[tilespmem:s15+$0x0 ss:$0x81] =	vst.msk $0xffff, v63;
	s12 =	sadd.s32 s16, s12  }
0x47: {  	[hbm4b:s12+s11] =	stream.strided.scatter [tilespmem:s14], [sflag:$0x2], $0x4000, s6, s11, $0x20;
	[tilespmem:$0x10100] =	vst v63  }
.LBB1_6:
0x48: {  	_ =	sfence.sel $0x180000  }
0x49: {  	s2 =	simm.s32 $0x1;
	[bflag:$0x0] =	sbarrier.arrive $0xFFFF  }
0x4a: {  	s31 =	simm.s32 $0x2;
	[sflag:s2] =	ssyncpa.u1 $0x1  }
0x4b: {  	[sflag:s31] =	ssyncpa.u1 $0x1  }
0x4c: {  	p0 =	sne.s32 s1, $0x0;
	_ =	strace $0x90000056  }
0x4d: {  	s0 =	sadd.s32 @!p0 $0x100000, s0;
	[bflag:$0x2] =	sbarrier.arrive $0xFFFF  }
0x4e: {  	[sflag:s0] =	ssyncadd.tile.s32 @!p0 $0x1;
	_ =	shalt  }
.Lfunc_end1:
_tile_overlayer_lowered:
.L_overlay_start_2:
0x4f: {  	(tag) =	ssettag $0x2  }
0x50: {  	s0 =	rddreg [dreg:$0x0];
	s2 =	stileid.u32  }
0x51: {  	s1 =	rddreg [dreg:$0x1];
	p0 =	sne.s32 s2, $0x0  }
0x52: {  	s3 =	rddreg [dreg:$0x2];
	[bflag:$0x3] =	sbarrier.arrive $0xFFFF;
	s2 =	simm.s32 @!p0 $0x1C01  }
0x53: {  	[timem:s3], [sflag:s2] =	dma.local @!p0 [hbm:s0], s1  }
0x54: {  	s0 =	simm.s32 @!p0 $0x1  }
0x55: {  	_ =	swait.ge @!p0 [sflag:s0], s1  }
0x56: {  	s1 =	ssub.s32 @!p0 $0x0, s1;
	[sflag:s0] =	ssyncset.done @!p0 $0x0  }
0x57: {  	[sflag:s0] =	ssyncadd.s32 @!p0 s1  }
0x58: {  	[bflag:$0x3] =	sbarrier.arrive $0xFFFF  }
0x59: {  	_ =	shalt  }

// kernel: sparse-core-data-format-call.3.cloned.1.call-start
scs
called_computation.3_lowered:
.L_overlay_start_0:
0x0: {  	s1 =	sld [smem:$0x3FD9]  }
0x1: {  	s2 =	sld [smem:$0x3FFE];
	_ =	sdelay $0x1  }
0x2: {  	s3 =	srdreg.scid  }
0x3: {  	s0 =	sand.u32 $0x1, s3  }
0x4: {  	s17 =	sshll.u32 s0, $0xA;
	s1 =	sadd.s32 s2, s1  }
0x5: {  	s1 =	sadd.s32 s1, s17  }
0x6: {  	[smem:$0x3FC7] =	sst s1  }
0x7: {  	_ = 	snop  }
0x8: {  	(tm) =	ssettm $0x1  }
0x9: {  	s18 =	sld [smem:$0x3FFB];
	_ =	sdelay $0x3  }
0xa: {  	_ =	strace s18  }
0xb: {  	s1 =	sld [smem:$0x3FFC];
	_ =	sdelay $0x3  }
0xc: {  	_ =	strace s1  }
0xd: {  	s1 =	sld [smem:$0x3FFD];
	_ =	sdelay $0x3  }
0xe: {  	_ =	strace s1  }
0xf: {  	_ =	strace $0x8FFFFFFF  }
0x10: {  	s19 =	sld [smem:$0x3FDB];
	_ =	sdelay $0x1  }
0x11: {  	s20 =	simm.s32 $_scs_section_size  }
0x12: {  	s4 =	simm.s32 $_size__tile_overlayer_lowered;
	s5 =	simm.s32 $_tile_overlayer_lowered  }
0x13: {  	s23 =	simm.s32 $0x1BFF;
	s22 =	sshll.u32 s5, $0x1;
	s1 =	sadd.s32 s20, s19  }
0x14: {  	s6 =	simm.s32 $0x0;
	s21 =	sshll.u32 s4, $0x1;
	s4 =	sadd.s32 s22, s1  }
0x15: {  	[timem:s6], [sflag:s23] =	dma.local [hbm:s4], s21  }
0x16: {  	_ =	swait.ge [sflag:s23], s21  }
0x17: {  	s2 =	ssub.s32 $0x0, s21;
	[sflag:s23] =	ssyncset.done $0x0  }
0x18: {  	[sflag:s23] =	ssyncadd.s32 s2;
	_ =	sdelay $0x1  }
0x19: {  	s24 =	simm.s32 $0x1B8B  }
0x1a: {  	_ =	swait.ge [sflag:s24], $0x1  }
0x1b: {  	[sflag:s24] =	ssyncset.done $0x0  }
0x1c: {  	s26 =	simm.s32 $0x1B8E;
	s25 =	sld [smem:$0x3FFE];
	[sflag:s24] =	ssyncadd.s32 $0xFFFFFFFF  }
0x1d: {  	s27 =	simm.s32 $execute0_lowered;
	[smem:$0x3FD2] =	sst s26  }
0x1e: {  	s4 =	sshll.u32 s27, $0x1;
	_ =	strace $0x8000004C;
	[dreg:$0x1] =	wrdreg $0xFFFFFFFF  }
0x1f: {  	s28 =	simm.s32 $_size_execute0_lowered;
	s1 =	sadd.s32 s1, s4;
	[dreg:$0x0] =	wrdreg $0x0  }
0x20: {  	s4 =	sshll.u32 s28, $0x1;
	[dreg:$0x2] =	wrdreg s1  }
0x21: {  	[dreg:$0x3] =	wrdreg s4  }
0x22: {  	[dreg:$0x4] =	wrdreg $0xC0  }
0x23: {  	_ =	task [dreg:s6], $0x5FFFF  }
0x24: {  	[dreg:$0x1] =	wrdreg $0xFFFFFFFF  }
0x25: {  	[dreg:$0x0] =	wrdreg $0x60  }
0x26: {  	[dreg:$0x2] =	wrdreg s25  }
0x27: {  	[dreg:$0x3] =	wrdreg $0x9  }
0x28: {  	_ =	task.clear_ibuf [dreg:s6], $0x4FFFF;
	_ =	strace $0x9000004C  }
0x29: {  	s29 =	simm.s32 $0x9;
	_ =	strace $0x8000004E  }
0x2a: {  	_ =	swait.ge [sflag:s29], $0x1  }
0x2b: {  	[sflag:s29] =	ssyncadd.s32 $0xFFFFFFFF  }
0x2c: {  	_ =	strace $0x9000004E  }
0x2d: {  	_ =	sfence  }
0x2e: {  	s30 =	sld [smem:$0x0];
	_ =	sdelay $0x2  }
0x2f: {  	s31 =	sshll.u32 s3, $0xD;
	s3 =	sshrl.u32 s3, $0x2  }
0x30: {  	s2 =	sand.u32 $0x4000, s31;
	s1 =	sadd.s32 s3, s30  }
0x31: {  	s0 =	sor.u32 s2, s0;
	s1 =	sshll.u32 s1, $0x11  }
0x32: {  	s0 =	sor.u32 s1, s0  }
0x33: {  	s0 =	sadd.s32 $0x8F2B, s0  }
0x34: {  	[sflag:s0] =	ssyncadd.remote.s32 $0x1  }
0x35: {  	_ =	sfence.sel $0xFFFF  }
0x36: {  	[dreg:$0x0] =	wrdreg $0xFFFFFFFF;
	(pc) =	sbr.abs _section_cstart, $3  }
0x37: {  	[dreg:$0x1] =	wrdreg $0xFFFFFFFF  }
0x38: {  	_ =	task.clear_ibuf [dreg:s6], $0x2FFFF;
	_ =	strace $0x9FFFFFFF  }
0x39: {  	(tm) =	ssettm $0x7FFFFFFF  }
tec
execute0_lowered:
.L_overlay_start_1:
0x0: {  	(tag) =	ssettag $0x1  }
0x1: {  	s1 =	rddreg [dreg:$0x0]  }
0x2: {  	s0 =	rddreg [dreg:$0x1];
	_ =	strace $0x8000004D  }
0x3: {  	s4 =	srdreg.scid;
	s6 =	simm.s32 $0x2;
	s13 =	simm.s32 $0x0  }
0x4: {  	p0 =	por $0x0, $0x0;
	s11 =	simm.s32 $0x0;
	s12 =	simm.s32 $0x0  }
.Ltmp0:
0x5: {  	s8 =	simm.s32 $0x0;
	s10 =	simm.s32 $0x0;
	(pc) =	sbr.rel .LBB1_1-.Ltmp0, $4  }
0x6: {  	s2 =	sadd.s32 $0xA00400, s1;
	s3 =	sadd.s32 $0xC00800, s1;
	s4 =	sshll.u32 s4, $0x4  }
0x7: {  	s1 =	stileid.u32;
	s5 =	sand.u32 $0x10, s4;
	s4 =	simm.s32 $0x1  }
0x8: {  	s7 =	simm.s32 $0x0;
	s5 =	sor.u32 s1, s5;
	[sflag:s4] =	ssyncpa.u1 $0x0  }
0x9: {  	[sflag:s6] =	ssyncpa.u1 $0x0;
	s6 =	simm.s32 $0x4400;
	s9 =	smov.u32 s5  }
.LBB1_5:
0xa: {  	s14 =	sadd.s32 $0x80, s8  }
0xb: {  	s11 =	sadd.s32 $0x20, s9;
	s15 =	smov.u32 s9;
	p2 =	sgt.s32 s14, $0xFF  }
0xc: {  	s15 =	smov.u32 @p2 s11  }
0xd: {  	s17 =	smov.u32 s10;
	s11 =	sadd.s32 $0x80, s10;
	p3 =	sgt.s32 s15, $0x1F  }
0xe: {  	p1 =	slt.u32 s7, $0x2;
	s17 =	smov.u32 @p3 s11  }
0xf: {  	s7 =	sadd.s32 $0x1, s7;
	s14 =	simm.s32 @p2 $0x0;
	p2 =	sgt.s32 s17, $0x800  }
0x10: {  	s17 =	simm.s32 @p2 $0x0;
	p2 =	sne.s32 s7, $0x24  }
.Ltmp1:
0x11: {  	s16 =	simm.s32 @!p1 $0x2;
	(pc) =	sbr.rel @!p2 .LBB1_6-.Ltmp1, $4  }
0x12: {  	s13 =	smov.u32 s8;
	_ =	swait.ge @!p1 [sflag:s16], $0x4000  }
0x13: {  	s12 =	smov.u32 s10;
	p0 =	por !p0, !p0;
	[sflag:s16] =	ssyncset.done @!p1 $0x0  }
0x14: {  	s8 =	smov.u32 s14;
	s15 =	smov.u32 @p3 s5;
	s11 =	smov.u32 s9  }
0x15: {  	[sflag:s16] =	ssyncadd.s32 @!p1 $0xFFFFC000;
	s9 =	smov.u32 s15;
	s10 =	smov.u32 s17  }
.LBB1_1:
0x16: {  	p1 =	sgt.u32 s7, $0x21;
	s16 =	smov.u32 s10  }
0x17: {  	s19 =	smov.u32 s9;
	s14 =	sshll.u32 @!p1 s9, $0x8;
	s15 =	sshll.u32 @!p1 s8, $0x3  }
0x18: {  	p2 =	sgt.s32 @!p1 s10, $0x781;
	s14 =	sand.u32 @!p1 $0x1800, s14;
	s15 =	sand.u32 @!p1 $0x1C00, s15  }
0x19: {  	s17 =	sshra.s32 @!p1 s10, $0x1F;
	p2 =	por !p2, p1;
	s14 =	sadd.s32 @!p1 s14, s15  }
0x1a: {  	s16 =	simm.s32 @p2 $0x781;
	s15 =	sand.u32 @!p1 s17, s10;
	p2 =	sgt.s32 @!p1 s9, $0x1F  }
0x1b: {  	s17 =	sshll.u32 @!p1 s9, $0x7;
	s15 =	ssub.s32 @!p1 s16, s15;
	p2 =	por !p2, p1  }
0x1c: {  	s16 =	sand.u32 @!p1 $0x300, s17;
	s18 =	sadd.s32 @!p1 $0xFFFFF87F, s15;
	s19 =	simm.s32 @p2 $0x1F  }
0x1d: {  	s15 =	ssub.s32 @!p1 $0x801, s15;
	p2 =	sgt.s32 @!p1 s18, $0x7F;
	s18 =	sshra.s32 @!p1 s9, $0x1F  }
0x1e: {  	s14 =	sor.u32 @!p1 s16, s14;
	p2 =	por !p2, p1;
	s18 =	sand.u32 @!p1 s18, s9  }
0x1f: {  	s15 =	simm.s32 @!p2 $0x0;
	s18 =	ssub.s32 @!p1 s19, s18;
	p2 =	sgt.s32 @!p1 s8, $0x80  }
0x20: {  	s19 =	smov.u32 s8;
	s16 =	sadd.s32 @!p1 $0xFFFFFFE1, s18;
	p2 =	por !p2, p1  }
0x21: {  	s19 =	simm.s32 @p2 $0x80;
	p2 =	sgt.s32 @!p1 s16, $0x0;
	s16 =	sshra.s32 @!p1 s8, $0x1F  }
0x22: {  	s18 =	ssub.s32 @!p1 $0x20, s18;
	p2 =	por !p2, p1;
	s16 =	sand.u32 @!p1 s16, s8  }
0x23: {  	s17 =	sand.u32 @!p1 $0x80, s17;
	s16 =	ssub.s32 @!p1 s19, s16;
	s18 =	simm.s32 @!p2 $0x0  }
0x24: {  	s14 =	sshrl.u32 @!p1 s14, $0x3;
	s15 =	smul.u32 @!p1 s15, s18;
	s18 =	sadd.s32 @!p1 $0xFFFFFF80, s16  }
0x25: {  	s14 =	sand.u32 @!p1 $0x3E0, s14;
	s19 =	sxor.u32 @!p1 $0xFFFFFFFF, s7;
	p2 =	sgt.s32 @!p1 s18, $0x7F  }
0x26: {  	s19 =	sshll.u32 @!p1 s19, $0xE;
	s16 =	ssub.s32 @!p1 $0x100, s16;
	p2 =	por !p2, p1  }
0x27: {  	s19 =	sand.u32 @!p1 $0x4000, s19;
	s18 =	sand.u32 @!p1 $0x78, s8;
	s16 =	simm.s32 @!p2 $0x0  }
0x28: {  	s17 =	sor.u32 @!p1 s18, s17;
	s15 =	smul.u32 @!p1 s16, s15;
	s16 =	sshll.u32 @!p1 s10, $0xA  }
0x29: {  	s18 =	sand.u32 @!p1 $0x7, s8;
	s17 =	sshrl.u32 @!p1 s17, $0x3;
	s16 =	sadd.s32 @!p1 s2, s16  }
0x2a: {  	s15 =	sand.u32 @!p1 $0x3FFFFFFF, s15;
	s16 =	sadd.s32 @!p1 s17, s16;
	s17 =	sshll.u32 @!p1 s18, $0x12  }
0x2b: {  	s14 =	sadd.s32 @!p1 s14, s16;
	s16 =	sor.u32 @!p1 $0x80, s17;
	s17 =	simm.s32 @!p1 $0x2000  }
0x2c: {  	[tilespmem:s19], [sflag:$0x1] =	stream.strided.gather @!p1 [hbm4b:s14+s16], s15, s17, s16, $0x38;
	[tilespmem:$0x10100] =	vst v63  }
0x2d: {  	p1 =	seq.s32 s7, $0x0  }
0x2e: {  	p2 =	seq.s32 @!p1 s7, $0x23  }
0x2f: {  	p1 =	por p1, p2  }
.Ltmp2:
0x30: {  	_ = 	snop;
	(pc) =	sbr.rel @p1 .LBB1_5-.Ltmp2, $1  }
0x31: {  	_ =	sdelay $0x3  }
0x32: {  	p1 =	sgt.s32 s12, $0x781;
	s14 =	smov.u32 s12;
	s15 =	sshra.s32 s12, $0x1F  }
0x33: {  	s14 =	simm.s32 @!p1 $0x781;
	s15 =	sand.u32 s15, s12  }
0x34: {  	s14 =	ssub.s32 s14, s15  }
0x35: {  	p2 =	sgt.s32 s11, $0x1F;
	s16 =	sshra.s32 s11, $0x1F;
	s15 =	sadd.s32 $0xFFFFF87F, s14  }
0x36: {  	s17 =	sshra.s32 s13, $0x1F;
	p1 =	sgt.s32 s15, $0x7F;
	s15 =	smov.u32 s11  }
0x37: {  	s16 =	sand.u32 s16, s11;
	s17 =	sand.u32 s17, s13;
	s15 =	simm.s32 @!p2 $0x1F  }
0x38: {  	p2 =	sgt.s32 s13, $0x80;
	s15 =	ssub.s32 s15, s16;
	s16 =	smov.u32 s13  }
0x39: {  	s14 =	ssub.s32 $0x801, s14;
	s18 =	sadd.s32 $0xFFFFFFE1, s15;
	s16 =	simm.s32 @!p2 $0x80  }
0x3a: {  	s15 =	ssub.s32 $0x20, s15;
	p2 =	sgt.s32 s18, $0x0;
	s16 =	ssub.s32 s16, s17  }
0x3b: {  	s14 =	simm.s32 @p1 $0x0;
	s15 =	simm.s32 @p2 $0x0;
	s17 =	sadd.s32 $0xFFFFFF80, s16  }
0x3c: {  	s14 =	smul.u32 s14, s15;
	p1 =	sgt.s32 s17, $0x7F;
	s15 =	ssub.s32 $0x100, s16  }
0x3d: {  	s15 =	simm.s32 @p1 $0x0  }
0x3e: {  	s14 =	smul.u32 s15, s14;
	_ =	sdelay $0x1  }
0x3f: {  	s15 =	simm.s32 $0x1;
	s14 =	sand.u32 $0x3FFFFFFF, s14  }
0x40: {  	s15 =	simm.s32 @!p0 $0x0;
	_ =	swait.ge [sflag:s4], s14  }
0x41: {  	s28 =	sshll.u32 s15, $0xE;
	s14 =	ssub.s32 $0x0, s14;
	[sflag:s4] =	ssyncset.done $0x0  }
0x42: {  	s29 =	sor.u32 $0x40, s28;
	[sflag:s4] =	ssyncadd.s32 s14  }
0x43: {  	s30 =	smul.u32 $0x10200, s15;
	v0 =	vld [tilespmem:s29+$0x30]  }
0x44: {  	v1 =	vld [tilespmem:s29+$0xFFFFFFD0]  }
0x45: {  	s14 =	sshrl.u32 s30, $0x2;
	v5 =	vld [tilespmem:s29+$0xFFFFFFE0]  }
0x46: {  	s15 =	sor.u32 $0x8000, s14;
	v6 =	vld [tilespmem:s29+$0xFFFFFFF0]  }
0x47: {  	s31 =	sand.u32 $0x1, s7;
	v4 =	vld [tilespmem:s29+$0x0];
	s16 =	sadd.s32 $0x0, s15  }
0x48: {  	s14 =	smul.u32 $0x10200, s31;
	v3 =	vld [tilespmem:s29+$0x10];
	[tilespmem:s16+$0x3870 ss:$0x81] =	vst.msk $0xffff, v0  }
0x49: {  	v2 =	vld [tilespmem:s29+$0x20];
	[tilespmem:s16+$0x810 ss:$0x81] =	vst.msk $0xffff, v1  }
0x4a: {  	s17 =	sadd.s32 $0x80, s29;
	s14 =	sshrl.u32 s14, $0x2;
	v0 =	vld [tilespmem:s29+$0xFFFFFFC0];
	[tilespmem:s16+$0x1020 ss:$0x81] =	vst.msk $0xffff, v5  }
0x4b: {  	s19 =	simm.s32 $0x8;
	s18 =	simm.s32 $0x4;
	s14 =	sor.u32 $0x8000, s14;
	v1 =	vld [tilespmem:s17+$0x30];
	[tilespmem:s16+$0x1830 ss:$0x81] =	vst.msk $0xffff, v6  }
.LBB1_3:
0x4c: {  	p1 =	sne.s32 s19, $0x1FC;
	v5 =	vld [tilespmem:s17+$0xFFFFFFD0];
	[tilespmem:s16+$0x2040 ss:$0x81] =	vst.msk $0xffff, v4  }
0x4d: {  	v6 =	vld [tilespmem:s17+$0xFFFFFFE0];
	[tilespmem:s16+$0x2850 ss:$0x81] =	vst.msk $0xffff, v3  }
0x4e: {  	s20 =	sshra.s32 s18, $0x2;
	s18 =	smov.u32 s19;
	v7 =	vld [tilespmem:s17+$0xFFFFFFF0];
	[tilespmem:s16+$0x3060 ss:$0x81] =	vst.msk $0xffff, v2  }
.Ltmp3:
0x4f: {  	v4 =	vld [tilespmem:s17+$0x0];
	[tilespmem:s16+$0x0 ss:$0x81] =	vst.msk $0xffff, v0;
	s16 =	sadd.s32 s20, s15;
	(pc) =	sbr.rel @p1 .LBB1_3-.Ltmp3, $4  }
0x50: {  	v3 =	vld [tilespmem:s17+$0x10];
	[tilespmem:s16+$0x3870 ss:$0x81] =	vst.msk $0xffff, v1  }
0x51: {  	[tilespmem:s16+$0x810 ss:$0x81] =	vst.msk $0xffff, v5;
	v2 =	vld [tilespmem:s17+$0x20]  }
0x52: {  	v0 =	vld [tilespmem:s17+$0xFFFFFFC0];
	[tilespmem:s16+$0x1020 ss:$0x81] =	vst.msk $0xffff, v6;
	s17 =	sadd.s32 $0x80, s17  }
0x53: {  	s19 =	sadd.s32 $0x4, s19;
	v1 =	vld [tilespmem:s17+$0x30];
	[tilespmem:s16+$0x1830 ss:$0x81] =	vst.msk $0xffff, v7  }
0x54: {  	s19 =	sshrl.u32 s13, $0x3  }
0x55: {  	s20 =	sshll.u32 s12, $0x3;
	s19 =	smul.u32 $0x4400, s19  }
0x56: {  	s27 =	sshll.u32 s13, $0x7;
	s20 =	sand.u32 $0xFFFFFC00, s20  }
0x57: {  	v5 =	vld [tilespmem:s17+$0xFFFFFFD0];
	[tilespmem:s16+$0x2040 ss:$0x81] =	vst.msk $0xffff, v4;
	s13 =	sand.u32 $0x380, s27;
	s19 =	sadd.s32 s20, s19  }
0x58: {  	v58 =	vld [tilespmem:s17+$0xFFFFFFE0];
	s28 =	sand.u32 $0x7F, s12;
	[tilespmem:s16+$0x2850 ss:$0x81] =	vst.msk $0xffff, v3;
	s13 =	sor.u32 s13, s19  }
0x59: {  	s18 =	sshra.s32 s18, $0x2;
	v59 =	vld [tilespmem:s17+$0xFFFFFFF0];
	[tilespmem:s16+$0x3060 ss:$0x81] =	vst.msk $0xffff, v2;
	s12 =	sor.u32 s28, s13;
	s13 =	smulhi.u32 $0xF0F0F0F1, s13  }
0x5a: {  	v60 =	vld [tilespmem:s17+$0x0];
	s15 =	sadd.s32 s18, s15;
	[tilespmem:s16+$0x0 ss:$0x81] =	vst.msk $0xffff, v0;
	s29 =	smulhi.u32 $0xF0F0F0F1, s12  }
0x5b: {  	v61 =	vld [tilespmem:s17+$0x10];
	[tilespmem:s15+$0x3870 ss:$0x81] =	vst.msk $0xffff, v1  }
0x5c: {  	v62 =	vld [tilespmem:s17+$0x20];
	s11 =	smul.u32 $0x11000, s11;
	[tilespmem:s15+$0x810 ss:$0x81] =	vst.msk $0xffff, v5;
	s13 =	sshrl.u32 s13, $0xB;
	s16 =	sshrl.u32 s29, $0xB  }
0x5d: {  	v63 =	vld [tilespmem:s17+$0xFFFFFFC0];
	[tilespmem:s15+$0x1020 ss:$0x81] =	vst.msk $0xffff, v58;
	s13 =	sand.u32 $0xFF, s13;
	s16 =	smul.u32 $0x880, s16  }
0x5e: {  	[tilespmem:s15+$0x1830 ss:$0x81] =	vst.msk $0xffff, v59;
	s13 =	smul.u32 $0x110, s13  }
.Ltmp4:
0x5f: {  	[tilespmem:s15+$0x2040 ss:$0x81] =	vst.msk $0xffff, v60;
	s12 =	ssub.s32 s12, s16;
	(pc) =	sbr.rel .LBB1_5-.Ltmp4, $4  }
0x60: {  	s11 =	sadd.s32 s3, s11;
	[tilespmem:s15+$0x2850 ss:$0x81] =	vst.msk $0xffff, v61;
	s16 =	sand.u32 $0x7, s12  }
0x61: {  	[tilespmem:s15+$0x3060 ss:$0x81] =	vst.msk $0xffff, v62;
	s11 =	sadd.s32 s13, s11;
	s12 =	sshrl.u32 s12, $0x3;
	s30 =	sshll.u32 s16, $0x12  }
0x62: {  	[tilespmem:s15+$0x0 ss:$0x81] =	vst.msk $0xffff, v63;
	s11 =	sadd.s32 s12, s11;
	s31 =	sor.u32 $0x400, s30  }
0x63: {  	[hbm4b:s11+s31] =	stream.strided.scatter [tilespmem:s14], [sflag:$0x2], $0x4000, s6, s31, $0x20;
	[tilespmem:$0x10100] =	vst v63  }
.LBB1_6:
0x64: {  	_ =	sfence.sel $0x180000  }
0x65: {  	s2 =	simm.s32 $0x1;
	[bflag:$0x0] =	sbarrier.arrive $0xFFFF  }
0x66: {  	s31 =	simm.s32 $0x2;
	[sflag:s2] =	ssyncpa.u1 $0x1  }
0x67: {  	[sflag:s31] =	ssyncpa.u1 $0x1  }
0x68: {  	p0 =	sne.s32 s1, $0x0;
	_ =	strace $0x9000004D  }
0x69: {  	s0 =	sadd.s32 @!p0 $0x100000, s0;
	[bflag:$0x2] =	sbarrier.arrive $0xFFFF  }
0x6a: {  	[sflag:s0] =	ssyncadd.tile.s32 @!p0 $0x1;
	_ =	shalt  }
.Lfunc_end1:
_tile_overlayer_lowered:
.L_overlay_start_2:
0x6b: {  	(tag) =	ssettag $0x2  }
0x6c: {  	s0 =	rddreg [dreg:$0x0];
	s2 =	stileid.u32  }
0x6d: {  	s1 =	rddreg [dreg:$0x1];
	p0 =	sne.s32 s2, $0x0  }
0x6e: {  	s3 =	rddreg [dreg:$0x2];
	[bflag:$0x3] =	sbarrier.arrive $0xFFFF;
	s2 =	simm.s32 @!p0 $0x1C01  }
0x6f: {  	[timem:s3], [sflag:s2] =	dma.local @!p0 [hbm:s0], s1  }
0x70: {  	s0 =	simm.s32 @!p0 $0x1  }
0x71: {  	_ =	swait.ge @!p0 [sflag:s0], s1  }
0x72: {  	s1 =	ssub.s32 @!p0 $0x0, s1;
	[sflag:s0] =	ssyncset.done @!p0 $0x0  }
0x73: {  	[sflag:s0] =	ssyncadd.s32 @!p0 s1  }
0x74: {  	[bflag:$0x3] =	sbarrier.arrive $0xFFFF  }
0x75: {  	_ =	shalt  }

// kernel: sparse-core-data-format-call.4.cloned.1.call-start
scs
called_computation.4_lowered:
.L_overlay_start_0:
0x0: {  	s2 =	sld [smem:$0x3FD9]  }
0x1: {  	s3 =	sld [smem:$0x3FFE];
	_ =	sdelay $0x1  }
0x2: {  	s1 =	srdreg.scid  }
0x3: {  	s0 =	sand.u32 $0x1, s1  }
0x4: {  	s18 =	sshll.u32 s0, $0xA;
	s2 =	sadd.s32 s3, s2  }
0x5: {  	s2 =	sadd.s32 s2, s18  }
0x6: {  	[smem:$0x3FC7] =	sst s2  }
0x7: {  	_ = 	snop  }
0x8: {  	s19 =	sld [smem:$0x3FD0];
	(tm) =	ssettm $0x1  }
0x9: {  	s20 =	sld [smem:$0x3FFB];
	_ =	sdelay $0x3  }
0xa: {  	_ =	strace s20  }
0xb: {  	s2 =	sld [smem:$0x3FFC];
	_ =	sdelay $0x3  }
0xc: {  	_ =	strace s2  }
0xd: {  	s2 =	sld [smem:$0x3FFD];
	_ =	sdelay $0x3  }
0xe: {  	_ =	strace s2  }
0xf: {  	_ =	strace $0x8FFFFFFF  }
0x10: {  	s21 =	sld [smem:$0x3FDB];
	_ =	sdelay $0x1  }
0x11: {  	s4 =	simm.s32 $_scs_section_size  }
0x12: {  	s5 =	simm.s32 $_size__tile_overlayer_lowered;
	s6 =	simm.s32 $_tile_overlayer_lowered  }
0x13: {  	s7 =	simm.s32 $0x1BFF;
	s22 =	sshll.u32 s6, $0x1;
	s4 =	sadd.s32 s4, s21  }
0x14: {  	s23 =	simm.s32 $0x0;
	s5 =	sshll.u32 s5, $0x1;
	s6 =	sadd.s32 s22, s4  }
0x15: {  	[timem:s23], [sflag:s7] =	dma.local [hbm:s6], s5  }
0x16: {  	_ =	swait.ge [sflag:s7], s5  }
0x17: {  	s5 =	ssub.s32 $0x0, s5;
	[sflag:s7] =	ssyncset.done $0x0  }
0x18: {  	[sflag:s7] =	ssyncadd.s32 s5;
	_ =	sdelay $0x1  }
0x19: {  	s24 =	simm.s32 $0x1B8B  }
0x1a: {  	_ =	swait.ge [sflag:s24], $0x1  }
0x1b: {  	[sflag:s24] =	ssyncset.done $0x0  }
0x1c: {  	[sflag:s24] =	ssyncadd.s32 $0xFFFFFFFF  }
0x1d: {  	s5 =	sld [smem:$0x0]  }
0x1e: {  	s6 =	sand.u32 $0xFFFFFFFE, s1  }
0x1f: {  	p0 =	sne.s32 s1, s6  }
0x20: {  	s6 =	sshll.u32 @p0 s6, $0xE  }
0x21: {  	s6 =	sadd.s32 @p0 $0x11B8D, s6;
	s7 =	sshll.u32 @p0 s5, $0x11  }
0x22: {  	s6 =	sor.u32 @p0 s7, s6  }
0x23: {  	[sflag:s6] =	ssyncadd.remote.s32 @p0 $0x1;
	_ =	sdelay $0x1  }
0x24: {  	s6 =	simm.s32 @p0 $0x1B8D  }
0x25: {  	_ =	swait.eq @p0 [sflag:s6], $0x1  }
0x26: {  	[sflag:s6] =	ssyncadd.s32 @p0 $0xFFFFFFFF  }
0x27: {  	s7 =	sshll.u32 @!p0 s1, $0xE  }
0x28: {  	s7 =	sor.u32 @!p0 $0x4000, s7;
	s6 =	simm.s32 @!p0 $0x1B8D  }
0x29: {  	s5 =	sshll.u32 @!p0 s5, $0x11;
	s7 =	sadd.s32 @!p0 $0x11B8D, s7;
	_ =	swait.eq @!p0 [sflag:s6], $0x1  }
0x2a: {  	s5 =	sor.u32 @!p0 s5, s7;
	[sflag:s6] =	ssyncadd.s32 @!p0 $0xFFFFFFFF  }
0x2b: {  	s26 =	simm.s32 $0x1B8E;
	s25 =	sld [smem:$0x3FFE];
	[sflag:s5] =	ssyncadd.remote.s32 @!p0 $0x1  }
0x2c: {  	s27 =	simm.s32 $execute0_lowered;
	[smem:$0x3FD2] =	sst s26  }
0x2d: {  	s6 =	sshll.u32 s27, $0x1;
	_ =	strace $0x8000004F;
	[dreg:$0x1] =	wrdreg $0xFFFFFFFF  }
0x2e: {  	s28 =	simm.s32 $_size_execute0_lowered;
	s4 =	sadd.s32 s4, s6;
	[dreg:$0x0] =	wrdreg $0x0  }
0x2f: {  	s6 =	sshll.u32 s28, $0x1;
	[dreg:$0x2] =	wrdreg s4  }
0x30: {  	[dreg:$0x3] =	wrdreg s6  }
0x31: {  	[dreg:$0x4] =	wrdreg $0xC0  }
0x32: {  	_ =	task [dreg:s23], $0x5FFFF  }
0x33: {  	[dreg:$0x1] =	wrdreg $0xFFFFFFFF  }
0x34: {  	[dreg:$0x0] =	wrdreg $0x60  }
0x35: {  	[dreg:$0x2] =	wrdreg s25  }
0x36: {  	[dreg:$0x3] =	wrdreg s19  }
0x37: {  	[dreg:$0x4] =	wrdreg $0xA  }
0x38: {  	_ =	task.clear_ibuf [dreg:s23], $0x5FFFF;
	_ =	strace $0x9000004F  }
0x39: {  	s29 =	simm.s32 $0xA;
	_ =	strace $0x80000051  }
0x3a: {  	_ =	swait.ge [sflag:s29], $0x1  }
0x3b: {  	[sflag:s29] =	ssyncadd.s32 $0xFFFFFFFF  }
0x3c: {  	_ =	strace $0x90000051  }
0x3d: {  	_ =	sfence  }
0x3e: {  	s30 =	sld [smem:$0x0];
	_ =	sdelay $0x2  }
0x3f: {  	s31 =	sshll.u32 s1, $0xD;
	s1 =	sshrl.u32 s1, $0x2  }
0x40: {  	s4 =	sand.u32 $0x4000, s31;
	s1 =	sadd.s32 s1, s30  }
0x41: {  	s0 =	sor.u32 s4, s0;
	s1 =	sshll.u32 s1, $0x11  }
0x42: {  	s0 =	sor.u32 s1, s0  }
0x43: {  	s0 =	sadd.s32 $0x8F2B, s0  }
0x44: {  	[sflag:s0] =	ssyncadd.remote.s32 $0x1  }
0x45: {  	_ =	sfence.sel $0xFFFF  }
0x46: {  	[dreg:$0x0] =	wrdreg $0xFFFFFFFF;
	(pc) =	sbr.abs _section_cstart, $3  }
0x47: {  	[dreg:$0x1] =	wrdreg $0xFFFFFFFF  }
0x48: {  	_ =	task.clear_ibuf [dreg:s23], $0x2FFFF;
	_ =	strace $0x9FFFFFFF  }
0x49: {  	(tm) =	ssettm $0x7FFFFFFF  }
tec
execute0_lowered:
.L_overlay_start_1:
0x0: {  	(tag) =	ssettag $0x1  }
0x1: {  	s1 =	rddreg [dreg:$0x0]  }
0x2: {  	s2 =	rddreg [dreg:$0x1]  }
0x3: {  	s0 =	rddreg [dreg:$0x2]  }
0x4: {  	s4 =	srdreg.scid;
	_ =	strace $0x80000050;
	s6 =	simm.s32 $0x2  }
0x5: {  	s13 =	simm.s32 $0x0;
	p0 =	por $0x0, $0x0;
	s11 =	simm.s32 $0x0  }
.Ltmp0:
0x6: {  	s12 =	simm.s32 $0x0;
	s8 =	simm.s32 $0x0;
	(pc) =	sbr.rel .LBB1_1-.Ltmp0, $4  }
0x7: {  	s10 =	simm.s32 $0x0;
	s3 =	sadd.s32 $0xE20800, s1;
	s4 =	sshll.u32 s4, $0x4  }
0x8: {  	s1 =	stileid.u32;
	s5 =	sand.u32 $0x10, s4;
	s4 =	simm.s32 $0x1  }
0x9: {  	s7 =	simm.s32 $0x0;
	s5 =	sor.u32 s1, s5;
	[sflag:s4] =	ssyncpa.u1 $0x0  }
0xa: {  	[sflag:s6] =	ssyncpa.u1 $0x0;
	s6 =	simm.s32 $0x4400;
	s9 =	smov.u32 s5  }
.LBB1_5:
0xb: {  	s14 =	sadd.s32 $0x80, s8  }
0xc: {  	s11 =	sadd.s32 $0x20, s9;
	s15 =	smov.u32 s9;
	p2 =	sgt.s32 s14, $0xFF  }
0xd: {  	s15 =	smov.u32 @p2 s11  }
0xe: {  	s17 =	smov.u32 s10;
	s11 =	sadd.s32 $0x80, s10;
	p3 =	sgt.s32 s15, $0x1F  }
0xf: {  	p1 =	slt.u32 s7, $0x2;
	s17 =	smov.u32 @p3 s11  }
0x10: {  	s7 =	sadd.s32 $0x1, s7;
	s14 =	simm.s32 @p2 $0x0;
	p2 =	sgt.s32 s17, $0x800  }
0x11: {  	s17 =	simm.s32 @p2 $0x0;
	p2 =	sne.s32 s7, $0x24  }
.Ltmp1:
0x12: {  	s16 =	simm.s32 @!p1 $0x2;
	(pc) =	sbr.rel @!p2 .LBB1_6-.Ltmp1, $4  }
0x13: {  	s13 =	smov.u32 s8;
	_ =	swait.ge @!p1 [sflag:s16], $0x4000  }
0x14: {  	s12 =	smov.u32 s10;
	p0 =	por !p0, !p0;
	[sflag:s16] =	ssyncset.done @!p1 $0x0  }
0x15: {  	s8 =	smov.u32 s14;
	s15 =	smov.u32 @p3 s5;
	s11 =	smov.u32 s9  }
0x16: {  	[sflag:s16] =	ssyncadd.s32 @!p1 $0xFFFFC000;
	s9 =	smov.u32 s15;
	s10 =	smov.u32 s17  }
.LBB1_1:
0x17: {  	p1 =	sgt.u32 s7, $0x21;
	s16 =	smov.u32 s10  }
0x18: {  	s19 =	smov.u32 s9;
	s14 =	sshll.u32 @!p1 s9, $0x8;
	s15 =	sshll.u32 @!p1 s8, $0x3  }
0x19: {  	p2 =	sgt.s32 @!p1 s10, $0x781;
	s14 =	sand.u32 @!p1 $0x1800, s14;
	s15 =	sand.u32 @!p1 $0x1C00, s15  }
0x1a: {  	s17 =	sshra.s32 @!p1 s10, $0x1F;
	p2 =	por !p2, p1;
	s14 =	sadd.s32 @!p1 s14, s15  }
0x1b: {  	s16 =	simm.s32 @p2 $0x781;
	s15 =	sand.u32 @!p1 s17, s10;
	p2 =	sgt.s32 @!p1 s9, $0x1F  }
0x1c: {  	s17 =	sshll.u32 @!p1 s9, $0x7;
	s15 =	ssub.s32 @!p1 s16, s15;
	p2 =	por !p2, p1  }
0x1d: {  	s16 =	sand.u32 @!p1 $0x300, s17;
	s18 =	sadd.s32 @!p1 $0xFFFFF87F, s15;
	s19 =	simm.s32 @p2 $0x1F  }
0x1e: {  	s15 =	ssub.s32 @!p1 $0x801, s15;
	p2 =	sgt.s32 @!p1 s18, $0x7F;
	s18 =	sshra.s32 @!p1 s9, $0x1F  }
0x1f: {  	s14 =	sor.u32 @!p1 s16, s14;
	p2 =	por !p2, p1;
	s18 =	sand.u32 @!p1 s18, s9  }
0x20: {  	s15 =	simm.s32 @!p2 $0x0;
	s18 =	ssub.s32 @!p1 s19, s18;
	p2 =	sgt.s32 @!p1 s8, $0x80  }
0x21: {  	s19 =	smov.u32 s8;
	s16 =	sadd.s32 @!p1 $0xFFFFFFE1, s18;
	p2 =	por !p2, p1  }
0x22: {  	s19 =	simm.s32 @p2 $0x80;
	p2 =	sgt.s32 @!p1 s16, $0x0;
	s16 =	sshra.s32 @!p1 s8, $0x1F  }
0x23: {  	s18 =	ssub.s32 @!p1 $0x20, s18;
	p2 =	por !p2, p1;
	s16 =	sand.u32 @!p1 s16, s8  }
0x24: {  	s17 =	sand.u32 @!p1 $0x80, s17;
	s16 =	ssub.s32 @!p1 s19, s16;
	s18 =	simm.s32 @!p2 $0x0  }
0x25: {  	s14 =	sshrl.u32 @!p1 s14, $0x3;
	s15 =	smul.u32 @!p1 s15, s18;
	s18 =	sadd.s32 @!p1 $0xFFFFFF80, s16  }
0x26: {  	s14 =	sand.u32 @!p1 $0x3E0, s14;
	s19 =	sxor.u32 @!p1 $0xFFFFFFFF, s7;
	p2 =	sgt.s32 @!p1 s18, $0x7F  }
0x27: {  	s19 =	sshll.u32 @!p1 s19, $0xE;
	s16 =	ssub.s32 @!p1 $0x100, s16;
	p2 =	por !p2, p1  }
0x28: {  	s19 =	sand.u32 @!p1 $0x4000, s19;
	s18 =	sand.u32 @!p1 $0x78, s8;
	s16 =	simm.s32 @!p2 $0x0  }
0x29: {  	s17 =	sor.u32 @!p1 s18, s17;
	s15 =	smul.u32 @!p1 s16, s15;
	s16 =	sshll.u32 @!p1 s10, $0xA  }
0x2a: {  	s18 =	sand.u32 @!p1 $0x7, s8;
	s17 =	sshrl.u32 @!p1 s17, $0x3;
	s16 =	sadd.s32 @!p1 s3, s16  }
0x2b: {  	s15 =	sand.u32 @!p1 $0x3FFFFFFF, s15;
	s16 =	sadd.s32 @!p1 s17, s16;
	s17 =	sshll.u32 @!p1 s18, $0x12  }
0x2c: {  	s14 =	sadd.s32 @!p1 s14, s16;
	s16 =	sor.u32 @!p1 $0x80, s17;
	s17 =	simm.s32 @!p1 $0x2000  }
0x2d: {  	[tilespmem:s19], [sflag:$0x1] =	stream.strided.gather @!p1 [hbm4b:s14+s16], s15, s17, s16, $0x38;
	[tilespmem:$0x10100] =	vst v63  }
0x2e: {  	p1 =	seq.s32 s7, $0x0  }
0x2f: {  	p2 =	seq.s32 @!p1 s7, $0x23  }
0x30: {  	p1 =	por p1, p2  }
.Ltmp2:
0x31: {  	_ = 	snop;
	(pc) =	sbr.rel @p1 .LBB1_5-.Ltmp2, $1  }
0x32: {  	_ =	sdelay $0x3  }
0x33: {  	p1 =	sgt.s32 s12, $0x781;
	s14 =	smov.u32 s12;
	s15 =	sshra.s32 s12, $0x1F  }
0x34: {  	s14 =	simm.s32 @!p1 $0x781;
	s15 =	sand.u32 s15, s12  }
0x35: {  	s14 =	ssub.s32 s14, s15  }
0x36: {  	p2 =	sgt.s32 s11, $0x1F;
	s16 =	sshra.s32 s11, $0x1F;
	s15 =	sadd.s32 $0xFFFFF87F, s14  }
0x37: {  	s17 =	sshra.s32 s13, $0x1F;
	p1 =	sgt.s32 s15, $0x7F;
	s15 =	smov.u32 s11  }
0x38: {  	s16 =	sand.u32 s16, s11;
	s17 =	sand.u32 s17, s13;
	s15 =	simm.s32 @!p2 $0x1F  }
0x39: {  	p2 =	sgt.s32 s13, $0x80;
	s15 =	ssub.s32 s15, s16;
	s16 =	smov.u32 s13  }
0x3a: {  	s14 =	ssub.s32 $0x801, s14;
	s18 =	sadd.s32 $0xFFFFFFE1, s15;
	s16 =	simm.s32 @!p2 $0x80  }
0x3b: {  	s15 =	ssub.s32 $0x20, s15;
	p2 =	sgt.s32 s18, $0x0;
	s16 =	ssub.s32 s16, s17  }
0x3c: {  	s14 =	simm.s32 @p1 $0x0;
	s15 =	simm.s32 @p2 $0x0;
	s17 =	sadd.s32 $0xFFFFFF80, s16  }
0x3d: {  	s14 =	smul.u32 s14, s15;
	p1 =	sgt.s32 s17, $0x7F;
	s15 =	ssub.s32 $0x100, s16  }
0x3e: {  	s15 =	simm.s32 @p1 $0x0  }
0x3f: {  	s14 =	smul.u32 s15, s14;
	_ =	sdelay $0x1  }
0x40: {  	s15 =	simm.s32 $0x1;
	s14 =	sand.u32 $0x3FFFFFFF, s14  }
0x41: {  	s15 =	simm.s32 @!p0 $0x0;
	_ =	swait.ge [sflag:s4], s14  }
0x42: {  	s28 =	sshll.u32 s15, $0xE;
	s14 =	ssub.s32 $0x0, s14;
	[sflag:s4] =	ssyncset.done $0x0  }
0x43: {  	s29 =	sor.u32 $0x40, s28;
	[sflag:s4] =	ssyncadd.s32 s14  }
0x44: {  	s30 =	smul.u32 $0x10200, s15;
	v0 =	vld [tilespmem:s29+$0x30]  }
0x45: {  	v1 =	vld [tilespmem:s29+$0xFFFFFFD0]  }
0x46: {  	s14 =	sshrl.u32 s30, $0x2;
	v5 =	vld [tilespmem:s29+$0xFFFFFFE0]  }
0x47: {  	s15 =	sor.u32 $0x8000, s14;
	v6 =	vld [tilespmem:s29+$0xFFFFFFF0]  }
0x48: {  	s31 =	sand.u32 $0x1, s7;
	v4 =	vld [tilespmem:s29+$0x0];
	s16 =	sadd.s32 $0x0, s15  }
0x49: {  	s14 =	smul.u32 $0x10200, s31;
	v3 =	vld [tilespmem:s29+$0x10];
	[tilespmem:s16+$0x3870 ss:$0x81] =	vst.msk $0xffff, v0  }
0x4a: {  	v2 =	vld [tilespmem:s29+$0x20];
	[tilespmem:s16+$0x810 ss:$0x81] =	vst.msk $0xffff, v1  }
0x4b: {  	s17 =	sadd.s32 $0x80, s29;
	s14 =	sshrl.u32 s14, $0x2;
	v0 =	vld [tilespmem:s29+$0xFFFFFFC0];
	[tilespmem:s16+$0x1020 ss:$0x81] =	vst.msk $0xffff, v5  }
0x4c: {  	s19 =	simm.s32 $0x8;
	s18 =	simm.s32 $0x4;
	s14 =	sor.u32 $0x8000, s14;
	v1 =	vld [tilespmem:s17+$0x30];
	[tilespmem:s16+$0x1830 ss:$0x81] =	vst.msk $0xffff, v6  }
.LBB1_3:
0x4d: {  	p1 =	sne.s32 s19, $0x1FC;
	v5 =	vld [tilespmem:s17+$0xFFFFFFD0];
	[tilespmem:s16+$0x2040 ss:$0x81] =	vst.msk $0xffff, v4  }
0x4e: {  	v6 =	vld [tilespmem:s17+$0xFFFFFFE0];
	[tilespmem:s16+$0x2850 ss:$0x81] =	vst.msk $0xffff, v3  }
0x4f: {  	s20 =	sshra.s32 s18, $0x2;
	s18 =	smov.u32 s19;
	v7 =	vld [tilespmem:s17+$0xFFFFFFF0];
	[tilespmem:s16+$0x3060 ss:$0x81] =	vst.msk $0xffff, v2  }
.Ltmp3:
0x50: {  	v4 =	vld [tilespmem:s17+$0x0];
	[tilespmem:s16+$0x0 ss:$0x81] =	vst.msk $0xffff, v0;
	s16 =	sadd.s32 s20, s15;
	(pc) =	sbr.rel @p1 .LBB1_3-.Ltmp3, $4  }
0x51: {  	v3 =	vld [tilespmem:s17+$0x10];
	[tilespmem:s16+$0x3870 ss:$0x81] =	vst.msk $0xffff, v1  }
0x52: {  	[tilespmem:s16+$0x810 ss:$0x81] =	vst.msk $0xffff, v5;
	v2 =	vld [tilespmem:s17+$0x20]  }
0x53: {  	v0 =	vld [tilespmem:s17+$0xFFFFFFC0];
	[tilespmem:s16+$0x1020 ss:$0x81] =	vst.msk $0xffff, v6;
	s17 =	sadd.s32 $0x80, s17  }
0x54: {  	s19 =	sadd.s32 $0x4, s19;
	v1 =	vld [tilespmem:s17+$0x30];
	[tilespmem:s16+$0x1830 ss:$0x81] =	vst.msk $0xffff, v7  }
0x55: {  	s19 =	sshrl.u32 s13, $0x3  }
0x56: {  	s20 =	sshll.u32 s12, $0x3;
	s19 =	smul.u32 $0x4400, s19  }
0x57: {  	s27 =	sshll.u32 s13, $0x7;
	s20 =	sand.u32 $0xFFFFFC00, s20  }
0x58: {  	v5 =	vld [tilespmem:s17+$0xFFFFFFD0];
	[tilespmem:s16+$0x2040 ss:$0x81] =	vst.msk $0xffff, v4;
	s13 =	sand.u32 $0x380, s27;
	s19 =	sadd.s32 s20, s19  }
0x59: {  	v58 =	vld [tilespmem:s17+$0xFFFFFFE0];
	s28 =	sand.u32 $0x7F, s12;
	[tilespmem:s16+$0x2850 ss:$0x81] =	vst.msk $0xffff, v3;
	s13 =	sor.u32 s13, s19  }
0x5a: {  	s18 =	sshra.s32 s18, $0x2;
	v59 =	vld [tilespmem:s17+$0xFFFFFFF0];
	[tilespmem:s16+$0x3060 ss:$0x81] =	vst.msk $0xffff, v2;
	s12 =	sor.u32 s28, s13;
	s13 =	smulhi.u32 $0xF0F0F0F1, s13  }
0x5b: {  	v60 =	vld [tilespmem:s17+$0x0];
	s15 =	sadd.s32 s18, s15;
	[tilespmem:s16+$0x0 ss:$0x81] =	vst.msk $0xffff, v0;
	s29 =	smulhi.u32 $0xF0F0F0F1, s12  }
0x5c: {  	v61 =	vld [tilespmem:s17+$0x10];
	[tilespmem:s15+$0x3870 ss:$0x81] =	vst.msk $0xffff, v1  }
0x5d: {  	v62 =	vld [tilespmem:s17+$0x20];
	s11 =	smul.u32 $0x11000, s11;
	[tilespmem:s15+$0x810 ss:$0x81] =	vst.msk $0xffff, v5;
	s13 =	sshrl.u32 s13, $0xB;
	s16 =	sshrl.u32 s29, $0xB  }
0x5e: {  	v63 =	vld [tilespmem:s17+$0xFFFFFFC0];
	[tilespmem:s15+$0x1020 ss:$0x81] =	vst.msk $0xffff, v58;
	s13 =	sand.u32 $0xFF, s13;
	s16 =	smul.u32 $0x880, s16  }
0x5f: {  	[tilespmem:s15+$0x1830 ss:$0x81] =	vst.msk $0xffff, v59;
	s13 =	smul.u32 $0x110, s13  }
.Ltmp4:
0x60: {  	[tilespmem:s15+$0x2040 ss:$0x81] =	vst.msk $0xffff, v60;
	s12 =	ssub.s32 s12, s16;
	(pc) =	sbr.rel .LBB1_5-.Ltmp4, $4  }
0x61: {  	s11 =	sadd.s32 s2, s11;
	[tilespmem:s15+$0x2850 ss:$0x81] =	vst.msk $0xffff, v61;
	s16 =	sand.u32 $0x7, s12  }
0x62: {  	[tilespmem:s15+$0x3060 ss:$0x81] =	vst.msk $0xffff, v62;
	s11 =	sadd.s32 s13, s11;
	s12 =	sshrl.u32 s12, $0x3;
	s30 =	sshll.u32 s16, $0x12  }
0x63: {  	[tilespmem:s15+$0x0 ss:$0x81] =	vst.msk $0xffff, v63;
	s11 =	sadd.s32 s12, s11;
	s31 =	sor.u32 $0x400, s30  }
0x64: {  	[hbm4b:s11+s31] =	stream.strided.scatter [tilespmem:s14], [sflag:$0x2], $0x4000, s6, s31, $0x20;
	[tilespmem:$0x10100] =	vst v63  }
.LBB1_6:
0x65: {  	_ =	sfence.sel $0x180000  }
0x66: {  	s2 =	simm.s32 $0x1;
	[bflag:$0x0] =	sbarrier.arrive $0xFFFF  }
0x67: {  	s31 =	simm.s32 $0x2;
	[sflag:s2] =	ssyncpa.u1 $0x1  }
0x68: {  	[sflag:s31] =	ssyncpa.u1 $0x1  }
0x69: {  	p0 =	sne.s32 s1, $0x0;
	_ =	strace $0x90000050  }
0x6a: {  	s0 =	sadd.s32 @!p0 $0x100000, s0;
	[bflag:$0x2] =	sbarrier.arrive $0xFFFF  }
0x6b: {  	[sflag:s0] =	ssyncadd.tile.s32 @!p0 $0x1;
	_ =	shalt  }
.Lfunc_end1:
_tile_overlayer_lowered:
.L_overlay_start_2:
0x6c: {  	(tag) =	ssettag $0x2  }
0x6d: {  	s0 =	rddreg [dreg:$0x0];
	s2 =	stileid.u32  }
0x6e: {  	s1 =	rddreg [dreg:$0x1];
	p0 =	sne.s32 s2, $0x0  }
0x6f: {  	s3 =	rddreg [dreg:$0x2];
	[bflag:$0x3] =	sbarrier.arrive $0xFFFF;
	s2 =	simm.s32 @!p0 $0x1C01  }
0x70: {  	[timem:s3], [sflag:s2] =	dma.local @!p0 [hbm:s0], s1  }
0x71: {  	s0 =	simm.s32 @!p0 $0x1  }
0x72: {  	_ =	swait.ge @!p0 [sflag:s0], s1  }
0x73: {  	s1 =	ssub.s32 @!p0 $0x0, s1;
	[sflag:s0] =	ssyncset.done @!p0 $0x0  }
0x74: {  	[sflag:s0] =	ssyncadd.s32 @!p0 s1  }
0x75: {  	[bflag:$0x3] =	sbarrier.arrive $0xFFFF  }
0x76: {  	_ =	shalt  }

// kernel: sparse-core-data-format-call.5.cloned.1.call-start
scs
called_computation.5_lowered:
.L_overlay_start_0:
0x0: {  	s2 =	sld [smem:$0x3FD9]  }
0x1: {  	s3 =	sld [smem:$0x3FFE];
	_ =	sdelay $0x1  }
0x2: {  	s1 =	srdreg.scid  }
0x3: {  	s0 =	sand.u32 $0x1, s1  }
0x4: {  	s18 =	sshll.u32 s0, $0xA;
	s2 =	sadd.s32 s3, s2  }
0x5: {  	s2 =	sadd.s32 s2, s18  }
0x6: {  	[smem:$0x3FC7] =	sst s2  }
0x7: {  	_ = 	snop  }
0x8: {  	s2 =	sld [smem:$0x3FD0];
	(tm) =	ssettm $0x1  }
0x9: {  	s19 =	sld [smem:$0x3FFB];
	_ =	sdelay $0x3  }
0xa: {  	_ =	strace s19  }
0xb: {  	s3 =	sld [smem:$0x3FFC];
	_ =	sdelay $0x3  }
0xc: {  	_ =	strace s3  }
0xd: {  	s3 =	sld [smem:$0x3FFD];
	_ =	sdelay $0x3  }
0xe: {  	_ =	strace s3  }
0xf: {  	_ =	strace $0x8FFFFFFF  }
0x10: {  	s20 =	sld [smem:$0x3FDB];
	_ =	sdelay $0x1  }
0x11: {  	s4 =	simm.s32 $_scs_section_size  }
0x12: {  	s5 =	simm.s32 $_size__tile_overlayer_lowered;
	s6 =	simm.s32 $_tile_overlayer_lowered  }
0x13: {  	s23 =	simm.s32 $0x1BFF;
	s22 =	sshll.u32 s6, $0x1;
	s3 =	sadd.s32 s4, s20  }
0x14: {  	s7 =	simm.s32 $0x0;
	s21 =	sshll.u32 s5, $0x1;
	s5 =	sadd.s32 s22, s3  }
0x15: {  	[timem:s7], [sflag:s23] =	dma.local [hbm:s5], s21  }
0x16: {  	_ =	swait.ge [sflag:s23], s21  }
0x17: {  	s4 =	ssub.s32 $0x0, s21;
	[sflag:s23] =	ssyncset.done $0x0  }
0x18: {  	[sflag:s23] =	ssyncadd.s32 s4;
	_ =	sdelay $0x1  }
0x19: {  	s24 =	simm.s32 $0x1B8B  }
0x1a: {  	_ =	swait.ge [sflag:s24], $0x1  }
0x1b: {  	[sflag:s24] =	ssyncset.done $0x0  }
0x1c: {  	s26 =	simm.s32 $0x1B8E;
	s25 =	sld [smem:$0x3FFE];
	[sflag:s24] =	ssyncadd.s32 $0xFFFFFFFF  }
0x1d: {  	s27 =	simm.s32 $execute0_lowered;
	[smem:$0x3FD2] =	sst s26  }
0x1e: {  	s5 =	sshll.u32 s27, $0x1;
	_ =	strace $0x80000049;
	[dreg:$0x1] =	wrdreg $0xFFFFFFFF  }
0x1f: {  	s28 =	simm.s32 $_size_execute0_lowered;
	s3 =	sadd.s32 s3, s5;
	[dreg:$0x0] =	wrdreg $0x0  }
0x20: {  	s5 =	sshll.u32 s28, $0x1;
	[dreg:$0x2] =	wrdreg s3  }
0x21: {  	[dreg:$0x3] =	wrdreg s5  }
0x22: {  	[dreg:$0x4] =	wrdreg $0xC0  }
0x23: {  	_ =	task [dreg:s7], $0x5FFFF  }
0x24: {  	[dreg:$0x1] =	wrdreg $0xFFFFFFFF  }
0x25: {  	[dreg:$0x0] =	wrdreg $0x60  }
0x26: {  	[dreg:$0x2] =	wrdreg s2  }
0x27: {  	[dreg:$0x3] =	wrdreg s25  }
0x28: {  	[dreg:$0x4] =	wrdreg $0x9  }
0x29: {  	_ =	task.clear_ibuf [dreg:s7], $0x5FFFF;
	_ =	strace $0x90000049  }
0x2a: {  	s29 =	simm.s32 $0x9;
	_ =	strace $0x8000004B  }
0x2b: {  	_ =	swait.ge [sflag:s29], $0x1  }
0x2c: {  	[sflag:s29] =	ssyncadd.s32 $0xFFFFFFFF  }
0x2d: {  	_ =	strace $0x9000004B  }
0x2e: {  	_ =	sfence  }
0x2f: {  	s30 =	sld [smem:$0x0];
	_ =	sdelay $0x2  }
0x30: {  	s31 =	sshll.u32 s1, $0xD;
	s1 =	sshrl.u32 s1, $0x2  }
0x31: {  	s3 =	sand.u32 $0x4000, s31;
	s1 =	sadd.s32 s1, s30  }
0x32: {  	s0 =	sor.u32 s3, s0;
	s1 =	sshll.u32 s1, $0x11  }
0x33: {  	s0 =	sor.u32 s1, s0  }
0x34: {  	s0 =	sadd.s32 $0x8F2B, s0  }
0x35: {  	[sflag:s0] =	ssyncadd.remote.s32 $0x1  }
0x36: {  	_ =	sfence.sel $0xFFFF  }
0x37: {  	[dreg:$0x0] =	wrdreg $0xFFFFFFFF;
	(pc) =	sbr.abs _section_cstart, $3  }
0x38: {  	[dreg:$0x1] =	wrdreg $0xFFFFFFFF  }
0x39: {  	_ =	task.clear_ibuf [dreg:s7], $0x2FFFF;
	_ =	strace $0x9FFFFFFF  }
0x3a: {  	(tm) =	ssettm $0x7FFFFFFF  }
0x3b: {  	_ =	shalt  }
tec
execute0_lowered:
.L_overlay_start_1:
0x0: {  	(tag) =	ssettag $0x1  }
0x1: {  	s2 =	rddreg [dreg:$0x0]  }
0x2: {  	s1 =	rddreg [dreg:$0x1]  }
0x3: {  	s0 =	rddreg [dreg:$0x2]  }
0x4: {  	s4 =	srdreg.scid;
	_ =	strace $0x8000004A;
	s6 =	simm.s32 $0x2  }
0x5: {  	s14 =	simm.s32 $0x0;
	p0 =	por $0x0, $0x0;
	s15 =	simm.s32 $0x0  }
0x6: {  	s16 =	simm.s32 $0x0;
	s7 =	simm.s32 $0x0;
	s9 =	simm.s32 $0x0  }
.Ltmp0:
0x7: {  	s10 =	simm.s32 $0x0;
	s11 =	simm.s32 $0x0;
	(pc) =	sbr.rel .LBB1_1-.Ltmp0, $4  }
0x8: {  	s12 =	simm.s32 $0x0;
	s3 =	sadd.s32 $0x800000, s1;
	s4 =	sshll.u32 s4, $0x4  }
0x9: {  	s1 =	stileid.u32;
	s5 =	sand.u32 $0x10, s4;
	s4 =	simm.s32 $0x1  }
0xa: {  	s8 =	simm.s32 $0x0;
	s5 =	sor.u32 s1, s5;
	[sflag:s4] =	ssyncpa.u1 $0x0  }
0xb: {  	[sflag:s6] =	ssyncpa.u1 $0x0;
	s6 =	simm.s32 $0x800;
	s13 =	smov.u32 s5  }
.LBB1_5:
0xc: {  	p1 =	slt.u32 s8, $0x2  }
0xd: {  	p2 =	sgt.s32 @!p1 s16, $0x1F  }
0xe: {  	s17 =	smov.u32 s16;
	s18 =	sshra.s32 @!p1 s16, $0x1F;
	p2 =	por !p2, p1  }
0xf: {  	s16 =	sand.u32 @!p1 s18, s16;
	s17 =	simm.s32 @p2 $0x1F  }
0x10: {  	p3 =	sgt.s32 @!p1 s15, $0x80;
	s16 =	ssub.s32 @!p1 s17, s16  }
0x11: {  	p3 =	por !p3, p1;
	s18 =	sshra.s32 @!p1 s15, $0x1F;
	s17 =	sadd.s32 @!p1 $0xFFFFFFE1, s16  }
0x12: {  	s16 =	ssub.s32 @!p1 $0x20, s16;
	p2 =	sgt.s32 @!p1 s17, $0x0;
	s17 =	smov.u32 s15  }
0x13: {  	s15 =	sand.u32 @!p1 s18, s15;
	s17 =	simm.s32 @p3 $0x80;
	p3 =	sgt.s32 @!p1 s14, $0x788  }
0x14: {  	s18 =	smov.u32 s14;
	p2 =	por !p2, p1;
	p3 =	por !p3, p1  }
0x15: {  	s15 =	ssub.s32 @!p1 s17, s15;
	s17 =	sshra.s32 @!p1 s14, $0x1F;
	s16 =	simm.s32 @!p2 $0x0  }
0x16: {  	s18 =	simm.s32 @p3 $0x788;
	s14 =	sand.u32 @!p1 s17, s14;
	s17 =	sadd.s32 @!p1 $0xFFFFFF80, s15  }
0x17: {  	s15 =	ssub.s32 @!p1 $0x100, s15;
	s14 =	ssub.s32 @!p1 s18, s14;
	p2 =	sgt.s32 @!p1 s17, $0x7F  }
0x18: {  	s18 =	smov.u32 s12;
	s17 =	sadd.s32 @!p1 $0xFFFFF878, s14;
	p2 =	por !p2, p1  }
0x19: {  	s14 =	ssub.s32 @!p1 $0x808, s14;
	p3 =	sgt.s32 @!p1 s17, $0x7F;
	s15 =	simm.s32 @!p2 $0x0  }
0x1a: {  	s17 =	sadd.s32 $0x80, s11;
	p2 =	por !p3, p1;
	s15 =	smul.u32 @!p1 s16, s15  }
0x1b: {  	s16 =	sadd.s32 $0x80, s12;
	s14 =	simm.s32 @!p2 $0x0;
	p2 =	sgt.s32 s17, $0x800  }
0x1c: {  	s19 =	smov.u32 s13;
	s18 =	smov.u32 @p2 s16  }
0x1d: {  	s14 =	smul.u32 @!p1 s14, s15;
	s15 =	sadd.s32 $0x20, s13;
	p3 =	sgt.s32 s18, $0xFF  }
0x1e: {  	s8 =	sadd.s32 $0x1, s8;
	p0 =	por !p0, !p0;
	s19 =	smov.u32 @p3 s15  }
0x1f: {  	s20 =	simm.s32 @!p1 $0x2;
	s17 =	simm.s32 @p2 $0x0;
	p2 =	sgt.s32 s19, $0x1F  }
0x20: {  	s16 =	smov.u32 s10;
	s19 =	smov.u32 @p2 s5;
	p2 =	sne.s32 s8, $0x24  }
.Ltmp1:
0x21: {  	s10 =	smov.u32 s13;
	s14 =	sand.u32 @!p1 $0x3FFFFFFF, s14;
	(pc) =	sbr.rel @!p2 .LBB1_6-.Ltmp1, $4  }
0x22: {  	s18 =	simm.s32 @p3 $0x0;
	s15 =	smov.u32 s9;
	s9 =	smov.u32 s12  }
0x23: {  	_ =	swait.ge @!p1 [sflag:s20], s14;
	s21 =	ssub.s32 @!p1 $0x0, s14;
	s14 =	smov.u32 s7  }
0x24: {  	s7 =	smov.u32 s11;
	s11 =	smov.u32 s17;
	[sflag:s20] =	ssyncset.done @!p1 $0x0  }
0x25: {  	s12 =	smov.u32 s18;
	[sflag:s20] =	ssyncadd.s32 @!p1 s21;
	s13 =	smov.u32 s19  }
.LBB1_1:
0x26: {  	p1 =	sgt.u32 s8, $0x21  }
0x27: {  	s17 =	sshrl.u32 @!p1 s12, $0x3  }
0x28: {  	s18 =	sshll.u32 @!p1 s11, $0x3;
	s17 =	smul.u32 @!p1 $0x4400, s17  }
0x29: {  	s19 =	sshll.u32 @!p1 s12, $0x7;
	s18 =	sand.u32 @!p1 $0xFFFFFC00, s18  }
0x2a: {  	s17 =	sadd.s32 @!p1 s17, s18;
	s18 =	sand.u32 @!p1 $0x380, s19  }
0x2b: {  	s19 =	sand.u32 @!p1 $0x7F, s11;
	s17 =	sor.u32 @!p1 s18, s17  }
0x2c: {  	s18 =	sor.u32 @!p1 s19, s17  }
0x2d: {  	s19 =	smulhi.u32 @!p1 $0xF0F0F0F1, s18  }
0x2e: {  	s17 =	smulhi.u32 @!p1 $0xF0F0F0F1, s17  }
0x2f: {  	s19 =	sshrl.u32 @!p1 s19, $0xB  }
0x30: {  	s17 =	sshrl.u32 @!p1 s17, $0xB;
	s19 =	smul.u32 @!p1 $0x880, s19  }
0x31: {  	s20 =	sxor.u32 @!p1 $0xFFFFFFFF, s8;
	s21 =	smul.u32 @!p1 $0x11000, s13;
	s17 =	sand.u32 @!p1 $0xFF, s17  }
0x32: {  	s20 =	sshll.u32 @!p1 s20, $0xE;
	s17 =	smul.u32 @!p1 $0x110, s17;
	s18 =	ssub.s32 @!p1 s18, s19  }
0x33: {  	s19 =	sand.u32 @!p1 $0x4000, s20;
	s20 =	sadd.s32 @!p1 s2, s21;
	s21 =	sand.u32 @!p1 $0x7, s18  }
0x34: {  	s18 =	sshrl.u32 @!p1 s18, $0x3;
	s17 =	sadd.s32 @!p1 s17, s20;
	s20 =	sshll.u32 @!p1 s21, $0x12  }
0x35: {  	s17 =	sadd.s32 @!p1 s18, s17;
	s18 =	sor.u32 @!p1 $0x400, s20;
	s20 =	simm.s32 @!p1 $0x4400  }
0x36: {  	[tilespmem:s19], [sflag:$0x1] =	stream.strided.gather @!p1 [hbm4b:s17+s18], $0x4000, s20, s18, $0x38;
	[tilespmem:$0x10100] =	vst v63  }
0x37: {  	p1 =	seq.s32 s8, $0x0  }
0x38: {  	p2 =	seq.s32 @!p1 s8, $0x23  }
0x39: {  	p1 =	por p1, p2  }
.Ltmp2:
0x3a: {  	_ = 	snop;
	(pc) =	sbr.rel @p1 .LBB1_5-.Ltmp2, $1  }
0x3b: {  	_ =	sdelay $0x3  }
0x3c: {  	s17 =	simm.s32 $0x1  }
0x3d: {  	_ =	swait.ge [sflag:s4], $0x4000;
	s17 =	simm.s32 @!p0 $0x0  }
0x3e: {  	[sflag:s4] =	ssyncset.done $0x0;
	s18 =	sshll.u32 s17, $0xE  }
0x3f: {  	[sflag:s4] =	ssyncadd.s32 $0xFFFFC000;
	s18 =	sor.u32 $0x40, s18  }
0x40: {  	s17 =	smul.u32 $0x10200, s17;
	v0 =	vld [tilespmem:s18+$0x30]  }
0x41: {  	v1 =	vld [tilespmem:s18+$0xFFFFFFD0]  }
0x42: {  	s17 =	sshrl.u32 s17, $0x2;
	v5 =	vld [tilespmem:s18+$0xFFFFFFE0]  }
0x43: {  	v6 =	vld [tilespmem:s18+$0xFFFFFFF0];
	s20 =	sor.u32 $0x8000, s17  }
0x44: {  	s31 =	sand.u32 $0x1, s8;
	v4 =	vld [tilespmem:s18+$0x0];
	s19 =	sadd.s32 $0x0, s20  }
0x45: {  	v3 =	vld [tilespmem:s18+$0x10];
	s17 =	smul.u32 $0x10200, s31;
	[tilespmem:s19+$0x3870 ss:$0x81] =	vst.msk $0xffff, v0  }
0x46: {  	v2 =	vld [tilespmem:s18+$0x20];
	[tilespmem:s19+$0x810 ss:$0x81] =	vst.msk $0xffff, v1  }
0x47: {  	s17 =	sshrl.u32 s17, $0x2;
	v1 =	vld [tilespmem:s18+$0xFFFFFFC0];
	[tilespmem:s19+$0x1020 ss:$0x81] =	vst.msk $0xffff, v5;
	s18 =	sadd.s32 $0x80, s18  }
0x48: {  	s21 =	simm.s32 $0x4;
	s22 =	simm.s32 $0x8;
	s17 =	sor.u32 $0x8000, s17;
	[tilespmem:s19+$0x1830 ss:$0x81] =	vst.msk $0xffff, v6;
	v0 =	vld [tilespmem:s18+$0x30]  }
.LBB1_3:
0x49: {  	p1 =	sne.s32 s22, $0x1FC;
	v5 =	vld [tilespmem:s18+$0xFFFFFFD0];
	[tilespmem:s19+$0x2040 ss:$0x81] =	vst.msk $0xffff, v4  }
0x4a: {  	v6 =	vld [tilespmem:s18+$0xFFFFFFE0];
	[tilespmem:s19+$0x2850 ss:$0x81] =	vst.msk $0xffff, v3  }
0x4b: {  	s23 =	sshra.s32 s21, $0x2;
	s21 =	smov.u32 s22;
	v7 =	vld [tilespmem:s18+$0xFFFFFFF0];
	[tilespmem:s19+$0x3060 ss:$0x81] =	vst.msk $0xffff, v2  }
.Ltmp3:
0x4c: {  	v4 =	vld [tilespmem:s18+$0x0];
	[tilespmem:s19+$0x0 ss:$0x81] =	vst.msk $0xffff, v1;
	s19 =	sadd.s32 s23, s20;
	(pc) =	sbr.rel @p1 .LBB1_3-.Ltmp3, $4  }
0x4d: {  	v3 =	vld [tilespmem:s18+$0x10];
	[tilespmem:s19+$0x3870 ss:$0x81] =	vst.msk $0xffff, v0  }
0x4e: {  	[tilespmem:s19+$0x810 ss:$0x81] =	vst.msk $0xffff, v5;
	v2 =	vld [tilespmem:s18+$0x20]  }
0x4f: {  	v1 =	vld [tilespmem:s18+$0xFFFFFFC0];
	[tilespmem:s19+$0x1020 ss:$0x81] =	vst.msk $0xffff, v6;
	s18 =	sadd.s32 $0x80, s18  }
0x50: {  	s22 =	sadd.s32 $0x4, s22;
	v0 =	vld [tilespmem:s18+$0x30];
	[tilespmem:s19+$0x1830 ss:$0x81] =	vst.msk $0xffff, v7  }
0x51: {  	s22 =	sshll.u32 s7, $0x8;
	s23 =	sshll.u32 s9, $0x3;
	s24 =	sshll.u32 s7, $0x7  }
0x52: {  	s21 =	sshra.s32 s21, $0x2;
	p1 =	sgt.s32 s10, $0x1F;
	s25 =	sshra.s32 s10, $0x1F  }
0x53: {  	p2 =	sgt.s32 s9, $0x80;
	s26 =	smov.u32 s9;
	s27 =	sshra.s32 s9, $0x1F  }
0x54: {  	s28 =	sshra.s32 s7, $0x1F;
	s22 =	sand.u32 $0xFFFFF800, s22;
	s23 =	sand.u32 $0xFFFFFC00, s23  }
0x55: {  	s30 =	sand.u32 $0x300, s24;
	s25 =	sand.u32 s25, s10;
	s20 =	sadd.s32 s21, s20  }
0x56: {  	s26 =	simm.s32 @!p2 $0x80;
	s31 =	sand.u32 s27, s9;
	p2 =	sgt.s32 s7, $0x788  }
0x57: {  	s27 =	smov.u32 s7;
	s22 =	sadd.s32 s23, s22;
	s23 =	smov.u32 s10  }
0x58: {  	s24 =	sand.u32 $0x80, s24;
	s22 =	sor.u32 s30, s22;
	s23 =	simm.s32 @!p1 $0x1F  }
0x59: {  	v5 =	vld [tilespmem:s18+$0xFFFFFFD0];
	[tilespmem:s19+$0x2040 ss:$0x81] =	vst.msk $0xffff, v4;
	s27 =	simm.s32 @!p2 $0x788;
	s22 =	sshrl.u32 s22, $0x8;
	s23 =	ssub.s32 s23, s25  }
0x5a: {  	v58 =	vld [tilespmem:s18+$0xFFFFFFE0];
	[tilespmem:s19+$0x2850 ss:$0x81] =	vst.msk $0xffff, v3;
	s21 =	smulhi.u32 $0x1FE020, s22;
	s25 =	sadd.s32 $0xFFFFFFE1, s23;
	s23 =	ssub.s32 $0x20, s23  }
0x5b: {  	v59 =	vld [tilespmem:s18+$0xFFFFFFF0];
	[tilespmem:s19+$0x3060 ss:$0x81] =	vst.msk $0xffff, v2;
	p1 =	sgt.s32 s25, $0x0;
	s25 =	ssub.s32 s26, s31;
	s26 =	sand.u32 s28, s7  }
0x5c: {  	v60 =	vld [tilespmem:s18+$0x0];
	[tilespmem:s19+$0x0 ss:$0x81] =	vst.msk $0xffff, v1;
	s23 =	simm.s32 @p1 $0x0;
	s29 =	ssub.s32 s27, s26;
	s30 =	sadd.s32 $0xFFFFFF80, s25  }
0x5d: {  	v61 =	vld [tilespmem:s18+$0x10];
	[tilespmem:s20+$0x3870 ss:$0x81] =	vst.msk $0xffff, v0;
	s25 =	ssub.s32 $0x100, s25;
	s21 =	smul.u32 $0x808, s21;
	s26 =	sand.u32 $0x78, s9  }
0x5e: {  	v62 =	vld [tilespmem:s18+$0x20];
	[tilespmem:s20+$0x810 ss:$0x81] =	vst.msk $0xffff, v5;
	s27 =	smul.u32 $0x10100, s10;
	p1 =	sgt.s32 s30, $0x7F;
	s31 =	sadd.s32 $0xFFFFF878, s29  }
0x5f: {  	v63 =	vld [tilespmem:s18+$0xFFFFFFC0];
	[tilespmem:s20+$0x1020 ss:$0x81] =	vst.msk $0xffff, v58;
	s19 =	ssub.s32 $0x808, s29;
	s18 =	sor.u32 s26, s24;
	s25 =	simm.s32 @p1 $0x0  }
0x60: {  	[tilespmem:s20+$0x1830 ss:$0x81] =	vst.msk $0xffff, v59;
	s29 =	sand.u32 $0x7, s9;
	p2 =	sgt.s32 s31, $0x7F;
	s23 =	smul.u32 s23, s25  }
.Ltmp4:
0x61: {  	[tilespmem:s20+$0x2040 ss:$0x81] =	vst.msk $0xffff, v60;
	s21 =	ssub.s32 s22, s21;
	s19 =	simm.s32 @p2 $0x0;
	(pc) =	sbr.rel .LBB1_5-.Ltmp4, $4  }
0x62: {  	[tilespmem:s20+$0x2850 ss:$0x81] =	vst.msk $0xffff, v61;
	s18 =	sshrl.u32 s18, $0x3;
	s28 =	sadd.s32 s3, s27;
	s19 =	smul.u32 s19, s23  }
0x63: {  	[tilespmem:s20+$0x3060 ss:$0x81] =	vst.msk $0xffff, v62;
	s30 =	sshll.u32 s29, $0x12;
	s21 =	sshll.u32 s21, $0x5;
	s18 =	sadd.s32 s18, s28  }
0x64: {  	[tilespmem:s20+$0x0 ss:$0x81] =	vst.msk $0xffff, v63;
	s31 =	sor.u32 $0x400, s30;
	s18 =	sadd.s32 s21, s18;
	s19 =	sand.u32 $0x3FFFFFFF, s19  }
0x65: {  	[hbm4b:s18+s31] =	stream.strided.scatter [tilespmem:s17], [sflag:$0x2], s19, s6, s31, $0x20;
	[tilespmem:$0x10100] =	vst v63  }
.LBB1_6:
0x66: {  	_ =	sfence.sel $0x180000  }
0x67: {  	s2 =	simm.s32 $0x1;
	[bflag:$0x0] =	sbarrier.arrive $0xFFFF  }
0x68: {  	s31 =	simm.s32 $0x2;
	[sflag:s2] =	ssyncpa.u1 $0x1  }
0x69: {  	[sflag:s31] =	ssyncpa.u1 $0x1  }
0x6a: {  	p0 =	sne.s32 s1, $0x0;
	_ =	strace $0x9000004A  }
0x6b: {  	s0 =	sadd.s32 @!p0 $0x100000, s0;
	[bflag:$0x2] =	sbarrier.arrive $0xFFFF  }
0x6c: {  	[sflag:s0] =	ssyncadd.tile.s32 @!p0 $0x1;
	_ =	shalt  }
.Lfunc_end1:
_tile_overlayer_lowered:
.L_overlay_start_2:
0x6d: {  	(tag) =	ssettag $0x2  }
0x6e: {  	s0 =	rddreg [dreg:$0x0];
	s2 =	stileid.u32  }
0x6f: {  	s1 =	rddreg [dreg:$0x1];
	p0 =	sne.s32 s2, $0x0  }
0x70: {  	s3 =	rddreg [dreg:$0x2];
	[bflag:$0x3] =	sbarrier.arrive $0xFFFF;
	s2 =	simm.s32 @!p0 $0x1C01  }
0x71: {  	[timem:s3], [sflag:s2] =	dma.local @!p0 [hbm:s0], s1  }
0x72: {  	s0 =	simm.s32 @!p0 $0x1  }
0x73: {  	_ =	swait.ge @!p0 [sflag:s0], s1  }
0x74: {  	s1 =	ssub.s32 @!p0 $0x0, s1;
	[sflag:s0] =	ssyncset.done @!p0 $0x0  }
0x75: {  	[sflag:s0] =	ssyncadd.s32 @!p0 s1  }
0x76: {  	[bflag:$0x3] =	sbarrier.arrive $0xFFFF  }
0x77: {  	_ =	shalt  }

// kernel: sparse-core-data-format-call.6.cloned.1.call-start
scs
called_computation.6_lowered:
.L_overlay_start_0:
0x0: {  	s2 =	sld [smem:$0x3FD9]  }
0x1: {  	s3 =	sld [smem:$0x3FFE];
	_ =	sdelay $0x1  }
0x2: {  	s1 =	srdreg.scid  }
0x3: {  	s0 =	sand.u32 $0x1, s1  }
0x4: {  	s18 =	sshll.u32 s0, $0xA;
	s2 =	sadd.s32 s3, s2  }
0x5: {  	s2 =	sadd.s32 s2, s18  }
0x6: {  	[smem:$0x3FC7] =	sst s2  }
0x7: {  	_ = 	snop  }
0x8: {  	s2 =	sld [smem:$0x3FC9];
	(tm) =	ssettm $0x1  }
0x9: {  	s19 =	sld [smem:$0x3FFB];
	_ =	sdelay $0x3  }
0xa: {  	_ =	strace s19  }
0xb: {  	s3 =	sld [smem:$0x3FFC];
	_ =	sdelay $0x3  }
0xc: {  	_ =	strace s3  }
0xd: {  	s3 =	sld [smem:$0x3FFD];
	_ =	sdelay $0x3  }
0xe: {  	_ =	strace s3  }
0xf: {  	_ =	strace $0x8FFFFFFF  }
0x10: {  	s20 =	sld [smem:$0x3FDB];
	_ =	sdelay $0x1  }
0x11: {  	s4 =	simm.s32 $_scs_section_size  }
0x12: {  	s5 =	simm.s32 $_size__tile_overlayer_lowered;
	s6 =	simm.s32 $_tile_overlayer_lowered  }
0x13: {  	s23 =	simm.s32 $0x1BFF;
	s22 =	sshll.u32 s6, $0x1;
	s3 =	sadd.s32 s4, s20  }
0x14: {  	s7 =	simm.s32 $0x0;
	s21 =	sshll.u32 s5, $0x1;
	s5 =	sadd.s32 s22, s3  }
0x15: {  	[timem:s7], [sflag:s23] =	dma.local [hbm:s5], s21  }
0x16: {  	_ =	swait.ge [sflag:s23], s21  }
0x17: {  	s4 =	ssub.s32 $0x0, s21;
	[sflag:s23] =	ssyncset.done $0x0  }
0x18: {  	[sflag:s23] =	ssyncadd.s32 s4;
	_ =	sdelay $0x1  }
0x19: {  	s24 =	simm.s32 $0x1B8B  }
0x1a: {  	_ =	swait.ge [sflag:s24], $0x1  }
0x1b: {  	[sflag:s24] =	ssyncset.done $0x0  }
0x1c: {  	s26 =	simm.s32 $0x1B8E;
	s25 =	sld [smem:$0x3FFE];
	[sflag:s24] =	ssyncadd.s32 $0xFFFFFFFF  }
0x1d: {  	s27 =	simm.s32 $execute0_lowered;
	[smem:$0x3FD2] =	sst s26  }
0x1e: {  	s5 =	sshll.u32 s27, $0x1;
	_ =	strace $0x80000046;
	[dreg:$0x1] =	wrdreg $0xFFFFFFFF  }
0x1f: {  	s28 =	simm.s32 $_size_execute0_lowered;
	s3 =	sadd.s32 s3, s5;
	[dreg:$0x0] =	wrdreg $0x0  }
0x20: {  	s5 =	sshll.u32 s28, $0x1;
	[dreg:$0x2] =	wrdreg s3  }
0x21: {  	[dreg:$0x3] =	wrdreg s5  }
0x22: {  	[dreg:$0x4] =	wrdreg $0xC0  }
0x23: {  	_ =	task [dreg:s7], $0x5FFFF  }
0x24: {  	[dreg:$0x1] =	wrdreg $0xFFFFFFFF  }
0x25: {  	[dreg:$0x0] =	wrdreg $0x60  }
0x26: {  	[dreg:$0x2] =	wrdreg s2  }
0x27: {  	[dreg:$0x3] =	wrdreg s25  }
0x28: {  	[dreg:$0x4] =	wrdreg $0x9  }
0x29: {  	_ =	task.clear_ibuf [dreg:s7], $0x5FFFF;
	_ =	strace $0x90000046  }
0x2a: {  	s29 =	simm.s32 $0x9;
	_ =	strace $0x80000048  }
0x2b: {  	_ =	swait.ge [sflag:s29], $0x1  }
0x2c: {  	[sflag:s29] =	ssyncadd.s32 $0xFFFFFFFF  }
0x2d: {  	_ =	strace $0x90000048  }
0x2e: {  	_ =	sfence  }
0x2f: {  	s30 =	sld [smem:$0x0];
	_ =	sdelay $0x2  }
0x30: {  	s31 =	sshll.u32 s1, $0xD;
	s1 =	sshrl.u32 s1, $0x2  }
0x31: {  	s3 =	sand.u32 $0x4000, s31;
	s1 =	sadd.s32 s1, s30  }
0x32: {  	s0 =	sor.u32 s3, s0;
	s1 =	sshll.u32 s1, $0x11  }
0x33: {  	s0 =	sor.u32 s1, s0  }
0x34: {  	s0 =	sadd.s32 $0x8F2B, s0  }
0x35: {  	[sflag:s0] =	ssyncadd.remote.s32 $0x1  }
0x36: {  	_ =	sfence.sel $0xFFFF  }
0x37: {  	[dreg:$0x0] =	wrdreg $0xFFFFFFFF;
	(pc) =	sbr.abs _section_cstart, $3  }
0x38: {  	[dreg:$0x1] =	wrdreg $0xFFFFFFFF  }
0x39: {  	_ =	task.clear_ibuf [dreg:s7], $0x2FFFF;
	_ =	strace $0x9FFFFFFF  }
0x3a: {  	(tm) =	ssettm $0x7FFFFFFF  }
0x3b: {  	_ =	shalt  }
tec
execute0_lowered:
.L_overlay_start_1:
0x0: {  	(tag) =	ssettag $0x1  }
0x1: {  	s2 =	rddreg [dreg:$0x0]  }
0x2: {  	s3 =	rddreg [dreg:$0x1]  }
0x3: {  	s0 =	rddreg [dreg:$0x2]  }
0x4: {  	_ =	strace $0x80000047;
	s4 =	srdreg.scid;
	s1 =	stileid.u32  }
0x5: {  	s6 =	simm.s32 $0x2;
	s14 =	simm.s32 $0x0;
	p0 =	por $0x0, $0x0  }
.Ltmp0:
0x6: {  	s12 =	simm.s32 $0x0;
	s11 =	simm.s32 $0x0;
	(pc) =	sbr.rel .LBB1_1-.Ltmp0, $4  }
0x7: {  	s13 =	simm.s32 $0x0;
	s7 =	simm.s32 $0x0;
	s5 =	sshll.u32 s4, $0x4  }
0x8: {  	s8 =	simm.s32 $0x0;
	s4 =	simm.s32 $0x1;
	s5 =	sand.u32 $0x10, s5  }
0x9: {  	s9 =	simm.s32 $0x0;
	[sflag:s4] =	ssyncpa.u1 $0x0;
	s5 =	sor.u32 s1, s5  }
0xa: {  	[sflag:s6] =	ssyncpa.u1 $0x0;
	s6 =	simm.s32 $0x0;
	s10 =	smov.u32 s5  }
.LBB1_5:
0xb: {  	s15 =	sadd.s32 $0x80, s7  }
0xc: {  	s11 =	simm.s32 $0x1;
	p2 =	sgt.s32 s15, $0xFF  }
0xd: {  	s11 =	simm.s32 @!p2 $0x0  }
0xe: {  	s16 =	sadd.s32 s11, s8  }
0xf: {  	s17 =	smov.u32 s9;
	s11 =	sadd.s32 $0x80, s9;
	p3 =	sgt.s32 s16, $0x1F  }
0x10: {  	s17 =	smov.u32 @p3 s11  }
0x11: {  	s18 =	smov.u32 s10;
	s11 =	sadd.s32 $0x20, s10;
	p4 =	sgt.s32 s17, $0x7F  }
0x12: {  	p1 =	slt.u32 s6, $0x2;
	s18 =	smov.u32 @p4 s11  }
0x13: {  	s6 =	sadd.s32 $0x1, s6;
	s15 =	simm.s32 @p2 $0x0;
	p2 =	sgt.s32 s18, $0x1F  }
0x14: {  	s14 =	smov.u32 s7;
	s18 =	smov.u32 @p2 s5;
	p2 =	sne.s32 s6, $0x42  }
.Ltmp1:
0x15: {  	s12 =	smov.u32 s8;
	s19 =	simm.s32 @!p1 $0x2;
	(pc) =	sbr.rel @!p2 .LBB1_6-.Ltmp1, $4  }
0x16: {  	s13 =	smov.u32 s10;
	p0 =	por !p0, !p0;
	_ =	swait.ge @!p1 [sflag:s19], $0x4000  }
0x17: {  	[sflag:s19] =	ssyncset.done @!p1 $0x0;
	s7 =	smov.u32 s15;
	s16 =	simm.s32 @p3 $0x0  }
0x18: {  	[sflag:s19] =	ssyncadd.s32 @!p1 $0xFFFFC000;
	s8 =	smov.u32 s16;
	s17 =	simm.s32 @p4 $0x0  }
0x19: {  	s11 =	smov.u32 s9;
	s9 =	smov.u32 s17;
	s10 =	smov.u32 s18  }
.LBB1_1:
0x1a: {  	p1 =	sgt.u32 s6, $0x3F  }
0x1b: {  	s15 =	sxor.u32 @!p1 $0xFFFFFFFF, s6;
	s16 =	sand.u32 @!p1 $0x78, s7;
	s17 =	sshll.u32 @!p1 s8, $0x8  }
0x1c: {  	s18 =	sshll.u32 @!p1 s7, $0x3;
	s19 =	sshll.u32 @!p1 s8, $0x7;
	s15 =	sshll.u32 @!p1 s15, $0xE  }
0x1d: {  	s17 =	sand.u32 @!p1 $0x1800, s17;
	s18 =	sand.u32 @!p1 $0x1C00, s18;
	s15 =	sand.u32 @!p1 $0x4000, s15  }
0x1e: {  	s17 =	sadd.s32 @!p1 s17, s18;
	s18 =	sand.u32 @!p1 $0x300, s19;
	s19 =	sand.u32 @!p1 $0x80, s19  }
0x1f: {  	s17 =	sor.u32 @!p1 s18, s17;
	s16 =	sor.u32 @!p1 s16, s19;
	s18 =	sshll.u32 @!p1 s10, $0x11  }
0x20: {  	s19 =	sshll.u32 @!p1 s9, $0xA;
	s17 =	sshrl.u32 @!p1 s17, $0x3;
	s18 =	sadd.s32 @!p1 s2, s18  }
0x21: {  	s16 =	sshrl.u32 @!p1 s16, $0x3;
	s18 =	sadd.s32 @!p1 s19, s18;
	s19 =	sand.u32 @!p1 $0x7, s7  }
0x22: {  	s17 =	sand.u32 @!p1 $0x3E0, s17;
	s16 =	sadd.s32 @!p1 s16, s18;
	s18 =	sshll.u32 @!p1 s19, $0x12  }
0x23: {  	s16 =	sadd.s32 @!p1 s17, s16;
	s17 =	sor.u32 @!p1 $0x80, s18;
	s18 =	simm.s32 @!p1 $0x2000  }
0x24: {  	[tilespmem:s15], [sflag:$0x1] =	stream.strided.gather @!p1 [hbm4b:s16+s17], $0x4000, s18, s17, $0x38;
	[tilespmem:$0x10100] =	vst v63  }
0x25: {  	p1 =	seq.s32 s6, $0x0  }
0x26: {  	p2 =	seq.s32 @!p1 s6, $0x41  }
0x27: {  	p1 =	por p1, p2  }
.Ltmp2:
0x28: {  	_ = 	snop;
	(pc) =	sbr.rel @p1 .LBB1_5-.Ltmp2, $1  }
0x29: {  	_ =	sdelay $0x3  }
0x2a: {  	s15 =	simm.s32 $0x1  }
0x2b: {  	_ =	swait.ge [sflag:s4], $0x4000;
	s15 =	simm.s32 @!p0 $0x0  }
0x2c: {  	[sflag:s4] =	ssyncset.done $0x0;
	s16 =	sshll.u32 s15, $0xE  }
0x2d: {  	[sflag:s4] =	ssyncadd.s32 $0xFFFFC000;
	s17 =	sor.u32 $0x40, s16  }
0x2e: {  	s15 =	smul.u32 $0x10200, s15;
	v0 =	vld [tilespmem:s17+$0x30]  }
0x2f: {  	v3 =	vld [tilespmem:s17+$0xFFFFFFD0]  }
0x30: {  	s15 =	sshrl.u32 s15, $0x2;
	v4 =	vld [tilespmem:s17+$0xFFFFFFE0]  }
0x31: {  	v5 =	vld [tilespmem:s17+$0xFFFFFFF0];
	s16 =	sor.u32 $0x8000, s15  }
0x32: {  	s31 =	sand.u32 $0x1, s6;
	v1 =	vld [tilespmem:s17+$0x0];
	s18 =	sadd.s32 $0x0, s16  }
0x33: {  	v2 =	vld [tilespmem:s17+$0x10];
	s15 =	smul.u32 $0x10200, s31;
	[tilespmem:s18+$0x3870 ss:$0x81] =	vst.msk $0xffff, v0  }
0x34: {  	[tilespmem:s18+$0x810 ss:$0x81] =	vst.msk $0xffff, v3;
	v3 =	vld [tilespmem:s17+$0x20]  }
0x35: {  	s15 =	sshrl.u32 s15, $0x2;
	v0 =	vld [tilespmem:s17+$0xFFFFFFC0];
	[tilespmem:s18+$0x1020 ss:$0x81] =	vst.msk $0xffff, v4;
	s17 =	sadd.s32 $0x80, s17  }
0x36: {  	s19 =	simm.s32 $0x4;
	s20 =	simm.s32 $0x8;
	s15 =	sor.u32 $0x8000, s15;
	[tilespmem:s18+$0x1830 ss:$0x81] =	vst.msk $0xffff, v5;
	v4 =	vld [tilespmem:s17+$0x30]  }
.LBB1_3:
0x37: {  	p1 =	sne.s32 s20, $0x1FC;
	v5 =	vld [tilespmem:s17+$0xFFFFFFD0];
	[tilespmem:s18+$0x2040 ss:$0x81] =	vst.msk $0xffff, v1  }
0x38: {  	v6 =	vld [tilespmem:s17+$0xFFFFFFE0];
	[tilespmem:s18+$0x2850 ss:$0x81] =	vst.msk $0xffff, v2  }
0x39: {  	s21 =	sshra.s32 s19, $0x2;
	s19 =	smov.u32 s20;
	v7 =	vld [tilespmem:s17+$0xFFFFFFF0];
	[tilespmem:s18+$0x3060 ss:$0x81] =	vst.msk $0xffff, v3  }
.Ltmp3:
0x3a: {  	v1 =	vld [tilespmem:s17+$0x0];
	[tilespmem:s18+$0x0 ss:$0x81] =	vst.msk $0xffff, v0;
	s18 =	sadd.s32 s21, s16;
	(pc) =	sbr.rel @p1 .LBB1_3-.Ltmp3, $4  }
0x3b: {  	v2 =	vld [tilespmem:s17+$0x10];
	[tilespmem:s18+$0x3870 ss:$0x81] =	vst.msk $0xffff, v4  }
0x3c: {  	[tilespmem:s18+$0x810 ss:$0x81] =	vst.msk $0xffff, v5;
	v3 =	vld [tilespmem:s17+$0x20]  }
0x3d: {  	v0 =	vld [tilespmem:s17+$0xFFFFFFC0];
	[tilespmem:s18+$0x1020 ss:$0x81] =	vst.msk $0xffff, v6;
	s17 =	sadd.s32 $0x80, s17  }
0x3e: {  	s20 =	sadd.s32 $0x4, s20;
	v4 =	vld [tilespmem:s17+$0x30];
	[tilespmem:s18+$0x1830 ss:$0x81] =	vst.msk $0xffff, v7  }
0x3f: {  	v5 =	vld [tilespmem:s17+$0xFFFFFFD0];
	[tilespmem:s18+$0x2040 ss:$0x81] =	vst.msk $0xffff, v1  }
0x40: {  	v58 =	vld [tilespmem:s17+$0xFFFFFFE0];
	[tilespmem:s18+$0x2850 ss:$0x81] =	vst.msk $0xffff, v2  }
0x41: {  	s19 =	sshra.s32 s19, $0x2;
	v59 =	vld [tilespmem:s17+$0xFFFFFFF0];
	[tilespmem:s18+$0x3060 ss:$0x81] =	vst.msk $0xffff, v3  }
0x42: {  	v60 =	vld [tilespmem:s17+$0x0];
	s16 =	sadd.s32 s19, s16;
	[tilespmem:s18+$0x0 ss:$0x81] =	vst.msk $0xffff, v0  }
0x43: {  	v61 =	vld [tilespmem:s17+$0x10];
	[tilespmem:s16+$0x3870 ss:$0x81] =	vst.msk $0xffff, v4  }
0x44: {  	s14 =	sshll.u32 s14, $0x7;
	s26 =	sshll.u32 s11, $0x3;
	v62 =	vld [tilespmem:s17+$0x20];
	s13 =	sshll.u32 s13, $0x11;
	[tilespmem:s16+$0x810 ss:$0x81] =	vst.msk $0xffff, v5  }
0x45: {  	v63 =	vld [tilespmem:s17+$0xFFFFFFC0];
	s12 =	sshll.u32 s12, $0xC;
	s27 =	sand.u32 $0x7C00, s14;
	s18 =	sand.u32 $0x7C00, s26;
	[tilespmem:s16+$0x1020 ss:$0x81] =	vst.msk $0xffff, v58  }
0x46: {  	s29 =	sshrl.u32 s11, $0x3;
	s14 =	sand.u32 $0x380, s14;
	s28 =	sadd.s32 s18, s27;
	[tilespmem:s16+$0x1830 ss:$0x81] =	vst.msk $0xffff, v59  }
.Ltmp4:
0x47: {  	s13 =	sadd.s32 s3, s13;
	s14 =	sor.u32 s14, s28;
	[tilespmem:s16+$0x2040 ss:$0x81] =	vst.msk $0xffff, v60;
	(pc) =	sbr.rel .LBB1_5-.Ltmp4, $4  }
0x48: {  	s17 =	sand.u32 $0xF, s29;
	s12 =	sadd.s32 s12, s13;
	[tilespmem:s16+$0x2850 ss:$0x81] =	vst.msk $0xffff, v61;
	s14 =	sshrl.u32 s14, $0x3  }
0x49: {  	s12 =	sadd.s32 s17, s12;
	[tilespmem:s16+$0x3060 ss:$0x81] =	vst.msk $0xffff, v62;
	s30 =	sand.u32 $0xFF0, s14  }
0x4a: {  	s31 =	sand.u32 $0x7, s11;
	[tilespmem:s16+$0x0 ss:$0x81] =	vst.msk $0xffff, v63;
	s12 =	sadd.s32 s30, s12  }
0x4b: {  	[hbm4b:s12+s31] =	stream.linear.scatter [tilespmem:s15], [sflag:$0x2], $0x4000, $0x20;
	[tilespmem:$0x10100] =	vst v63  }
.LBB1_6:
0x4c: {  	_ =	sfence.sel $0x180000  }
0x4d: {  	s2 =	simm.s32 $0x1;
	[bflag:$0x0] =	sbarrier.arrive $0xFFFF  }
0x4e: {  	s31 =	simm.s32 $0x2;
	[sflag:s2] =	ssyncpa.u1 $0x1  }
0x4f: {  	[sflag:s31] =	ssyncpa.u1 $0x1  }
0x50: {  	p0 =	sne.s32 s1, $0x0;
	_ =	strace $0x90000047  }
0x51: {  	s0 =	sadd.s32 @!p0 $0x100000, s0;
	[bflag:$0x2] =	sbarrier.arrive $0xFFFF  }
0x52: {  	[sflag:s0] =	ssyncadd.tile.s32 @!p0 $0x1;
	_ =	shalt  }
.Lfunc_end1:
_tile_overlayer_lowered:
.L_overlay_start_2:
0x53: {  	(tag) =	ssettag $0x2  }
0x54: {  	s0 =	rddreg [dreg:$0x0];
	s2 =	stileid.u32  }
0x55: {  	s1 =	rddreg [dreg:$0x1];
	p0 =	sne.s32 s2, $0x0  }
0x56: {  	s3 =	rddreg [dreg:$0x2];
	[bflag:$0x3] =	sbarrier.arrive $0xFFFF;
	s2 =	simm.s32 @!p0 $0x1C01  }
0x57: {  	[timem:s3], [sflag:s2] =	dma.local @!p0 [hbm:s0], s1  }
0x58: {  	s0 =	simm.s32 @!p0 $0x1  }
0x59: {  	_ =	swait.ge @!p0 [sflag:s0], s1  }
0x5a: {  	s1 =	ssub.s32 @!p0 $0x0, s1;
	[sflag:s0] =	ssyncset.done @!p0 $0x0  }
0x5b: {  	[sflag:s0] =	ssyncadd.s32 @!p0 s1  }
0x5c: {  	[bflag:$0x3] =	sbarrier.arrive $0xFFFF  }
0x5d: {  	_ =	shalt  }

// kernel: sparse-core-data-format-call.cloned.1.call-start
scs
called_computation_lowered:
.L_overlay_start_0:
0x0: {  	s2 =	sld [smem:$0x3FD9]  }
0x1: {  	s3 =	sld [smem:$0x3FFE];
	_ =	sdelay $0x1  }
0x2: {  	s1 =	srdreg.scid  }
0x3: {  	s0 =	sand.u32 $0x1, s1  }
0x4: {  	s18 =	sshll.u32 s0, $0xA;
	s2 =	sadd.s32 s3, s2  }
0x5: {  	s2 =	sadd.s32 s2, s18  }
0x6: {  	[smem:$0x3FC7] =	sst s2  }
0x7: {  	_ = 	snop  }
0x8: {  	s2 =	sld [smem:$0x3FD0];
	(tm) =	ssettm $0x1  }
0x9: {  	s19 =	sld [smem:$0x3FFB];
	_ =	sdelay $0x3  }
0xa: {  	_ =	strace s19  }
0xb: {  	s3 =	sld [smem:$0x3FFC];
	_ =	sdelay $0x3  }
0xc: {  	_ =	strace s3  }
0xd: {  	s3 =	sld [smem:$0x3FFD];
	_ =	sdelay $0x3  }
0xe: {  	_ =	strace s3  }
0xf: {  	_ =	strace $0x8FFFFFFF  }
0x10: {  	s20 =	sld [smem:$0x3FDB];
	_ =	sdelay $0x1  }
0x11: {  	s4 =	simm.s32 $_scs_section_size  }
0x12: {  	s5 =	simm.s32 $_size__tile_overlayer_lowered;
	s6 =	simm.s32 $_tile_overlayer_lowered  }
0x13: {  	s23 =	simm.s32 $0x1BFF;
	s22 =	sshll.u32 s6, $0x1;
	s3 =	sadd.s32 s4, s20  }
0x14: {  	s7 =	simm.s32 $0x0;
	s21 =	sshll.u32 s5, $0x1;
	s5 =	sadd.s32 s22, s3  }
0x15: {  	[timem:s7], [sflag:s23] =	dma.local [hbm:s5], s21  }
0x16: {  	_ =	swait.ge [sflag:s23], s21  }
0x17: {  	s4 =	ssub.s32 $0x0, s21;
	[sflag:s23] =	ssyncset.done $0x0  }
0x18: {  	[sflag:s23] =	ssyncadd.s32 s4;
	_ =	sdelay $0x1  }
0x19: {  	s24 =	simm.s32 $0x1B8B  }
0x1a: {  	_ =	swait.ge [sflag:s24], $0x1  }
0x1b: {  	[sflag:s24] =	ssyncset.done $0x0  }
0x1c: {  	s26 =	simm.s32 $0x1B8E;
	s25 =	sld [smem:$0x3FFE];
	[sflag:s24] =	ssyncadd.s32 $0xFFFFFFFF  }
0x1d: {  	s27 =	simm.s32 $execute0_lowered;
	[smem:$0x3FD2] =	sst s26  }
0x1e: {  	s5 =	sshll.u32 s27, $0x1;
	_ =	strace $0x80000058;
	[dreg:$0x1] =	wrdreg $0xFFFFFFFF  }
0x1f: {  	s28 =	simm.s32 $_size_execute0_lowered;
	s3 =	sadd.s32 s3, s5;
	[dreg:$0x0] =	wrdreg $0x0  }
0x20: {  	s5 =	sshll.u32 s28, $0x1;
	[dreg:$0x2] =	wrdreg s3  }
0x21: {  	[dreg:$0x3] =	wrdreg s5  }
0x22: {  	[dreg:$0x4] =	wrdreg $0xC0  }
0x23: {  	_ =	task [dreg:s7], $0x5FFFF  }
0x24: {  	[dreg:$0x1] =	wrdreg $0xFFFFFFFF  }
0x25: {  	[dreg:$0x0] =	wrdreg $0x60  }
0x26: {  	[dreg:$0x2] =	wrdreg s2  }
0x27: {  	[dreg:$0x3] =	wrdreg s25  }
0x28: {  	[dreg:$0x4] =	wrdreg $0x9  }
0x29: {  	_ =	task.clear_ibuf [dreg:s7], $0x5FFFF;
	_ =	strace $0x90000058  }
0x2a: {  	s29 =	simm.s32 $0x9;
	_ =	strace $0x8000005A  }
0x2b: {  	_ =	swait.ge [sflag:s29], $0x1  }
0x2c: {  	[sflag:s29] =	ssyncadd.s32 $0xFFFFFFFF  }
0x2d: {  	_ =	strace $0x9000005A  }
0x2e: {  	_ =	sfence  }
0x2f: {  	s30 =	sld [smem:$0x0];
	_ =	sdelay $0x2  }
0x30: {  	s31 =	sshll.u32 s1, $0xD;
	s1 =	sshrl.u32 s1, $0x2  }
0x31: {  	s3 =	sand.u32 $0x4000, s31;
	s1 =	sadd.s32 s1, s30  }
0x32: {  	s0 =	sor.u32 s3, s0;
	s1 =	sshll.u32 s1, $0x11  }
0x33: {  	s0 =	sor.u32 s1, s0  }
0x34: {  	s0 =	sadd.s32 $0x8F2B, s0  }
0x35: {  	[sflag:s0] =	ssyncadd.remote.s32 $0x1  }
0x36: {  	_ =	sfence.sel $0xFFFF  }
0x37: {  	[dreg:$0x0] =	wrdreg $0xFFFFFFFF;
	(pc) =	sbr.abs _section_cstart, $3  }
0x38: {  	[dreg:$0x1] =	wrdreg $0xFFFFFFFF  }
0x39: {  	_ =	task.clear_ibuf [dreg:s7], $0x2FFFF;
	_ =	strace $0x9FFFFFFF  }
0x3a: {  	(tm) =	ssettm $0x7FFFFFFF  }
0x3b: {  	_ =	shalt  }
tec
execute0_lowered:
.L_overlay_start_1:
0x0: {  	(tag) =	ssettag $0x1  }
0x1: {  	s2 =	rddreg [dreg:$0x0]  }
0x2: {  	s3 =	rddreg [dreg:$0x1]  }
0x3: {  	s0 =	rddreg [dreg:$0x2];
	s1 =	srdreg.scid;
	_ =	strace $0x80000059  }
0x4: {  	s6 =	simm.s32 $0x2;
	s12 =	simm.s32 $0x0;
	p0 =	por $0x0, $0x0  }
.Ltmp0:
0x5: {  	s11 =	simm.s32 $0x0;
	s13 =	simm.s32 $0x0;
	(pc) =	sbr.rel .LBB1_1-.Ltmp0, $4  }
0x6: {  	s8 =	simm.s32 $0x0;
	s9 =	simm.s32 $0x0;
	s4 =	sshll.u32 s1, $0x4  }
0x7: {  	s1 =	stileid.u32;
	s5 =	sand.u32 $0x10, s4;
	s4 =	simm.s32 $0x1  }
0x8: {  	s7 =	simm.s32 $0x0;
	s5 =	sor.u32 s1, s5;
	[sflag:s4] =	ssyncpa.u1 $0x0  }
0x9: {  	[sflag:s6] =	ssyncpa.u1 $0x0;
	s6 =	simm.s32 $0x800;
	s10 =	smov.u32 s5  }
.LBB1_5:
0xa: {  	s14 =	sadd.s32 $0x1, s8  }
0xb: {  	s11 =	sadd.s32 $0x80, s9;
	s15 =	smov.u32 s9;
	p2 =	sgt.s32 s14, $0x1F  }
0xc: {  	s15 =	smov.u32 @p2 s11  }
0xd: {  	s17 =	smov.u32 s10;
	s11 =	sadd.s32 $0x20, s10;
	p3 =	sgt.s32 s15, $0xFF  }
0xe: {  	p1 =	slt.u32 s7, $0x2;
	s17 =	smov.u32 @p3 s11  }
0xf: {  	s7 =	sadd.s32 $0x1, s7;
	s14 =	simm.s32 @p2 $0x0;
	p2 =	sgt.s32 s17, $0x1F  }
0x10: {  	s17 =	smov.u32 @p2 s5;
	p2 =	sne.s32 s7, $0x42  }
.Ltmp1:
0x11: {  	s16 =	simm.s32 @!p1 $0x2;
	(pc) =	sbr.rel @!p2 .LBB1_6-.Ltmp1, $4  }
0x12: {  	s12 =	smov.u32 s8;
	_ =	swait.ge @!p1 [sflag:s16], $0x4000  }
0x13: {  	s13 =	smov.u32 s10;
	p0 =	por !p0, !p0;
	[sflag:s16] =	ssyncset.done @!p1 $0x0  }
0x14: {  	s8 =	smov.u32 s14;
	s15 =	simm.s32 @p3 $0x0;
	s11 =	smov.u32 s9  }
0x15: {  	[sflag:s16] =	ssyncadd.s32 @!p1 $0xFFFFC000;
	s9 =	smov.u32 s15;
	s10 =	smov.u32 s17  }
.LBB1_1:
0x16: {  	p1 =	sgt.u32 s7, $0x3F  }
0x17: {  	s14 =	sxor.u32 @!p1 $0xFFFFFFFF, s7;
	s15 =	sshll.u32 @!p1 s10, $0x11;
	s16 =	sshll.u32 @!p1 s9, $0x9  }
0x18: {  	s17 =	sshll.u32 @!p1 s8, $0x4;
	s14 =	sshll.u32 @!p1 s14, $0xE;
	s15 =	sadd.s32 @!p1 s2, s15  }
0x19: {  	s17 =	sand.u32 @!p1 $0x1F0, s17;
	s14 =	sand.u32 @!p1 $0x4000, s14;
	s15 =	sadd.s32 @!p1 s16, s15  }
0x1a: {  	s16 =	simm.s32 @!p1 $0x80;
	s15 =	sadd.s32 @!p1 s17, s15;
	s17 =	simm.s32 @!p1 $0x1000  }
0x1b: {  	[tilespmem:s14], [sflag:$0x1] =	stream.strided.gather @!p1 [hbm4b:s15+s16], $0x4000, s17, s16, $0x38;
	[tilespmem:$0x10100] =	vst v63  }
0x1c: {  	p1 =	seq.s32 s7, $0x0  }
0x1d: {  	p2 =	seq.s32 @!p1 s7, $0x41  }
0x1e: {  	p1 =	por p1, p2  }
.Ltmp2:
0x1f: {  	_ = 	snop;
	(pc) =	sbr.rel @p1 .LBB1_5-.Ltmp2, $1  }
0x20: {  	_ =	sdelay $0x3  }
0x21: {  	s14 =	simm.s32 $0x1  }
0x22: {  	_ =	swait.ge [sflag:s4], $0x4000;
	s14 =	simm.s32 @!p0 $0x0  }
0x23: {  	[sflag:s4] =	ssyncset.done $0x0;
	s15 =	sshll.u32 s14, $0xE  }
0x24: {  	[sflag:s4] =	ssyncadd.s32 $0xFFFFC000;
	s17 =	sor.u32 $0x40, s15  }
0x25: {  	s14 =	smul.u32 $0x10200, s14;
	v0 =	vld [tilespmem:s17+$0x30]  }
0x26: {  	v3 =	vld [tilespmem:s17+$0xFFFFFFD0]  }
0x27: {  	s14 =	sshrl.u32 s14, $0x2;
	v4 =	vld [tilespmem:s17+$0xFFFFFFE0]  }
0x28: {  	v5 =	vld [tilespmem:s17+$0xFFFFFFF0];
	s15 =	sor.u32 $0x8000, s14  }
0x29: {  	s31 =	sand.u32 $0x1, s7;
	v1 =	vld [tilespmem:s17+$0x0];
	s16 =	sadd.s32 $0x0, s15  }
0x2a: {  	v2 =	vld [tilespmem:s17+$0x10];
	s14 =	smul.u32 $0x10200, s31;
	[tilespmem:s16+$0x3870 ss:$0x81] =	vst.msk $0xffff, v0  }
0x2b: {  	[tilespmem:s16+$0x810 ss:$0x81] =	vst.msk $0xffff, v3;
	v3 =	vld [tilespmem:s17+$0x20]  }
0x2c: {  	s14 =	sshrl.u32 s14, $0x2;
	v0 =	vld [tilespmem:s17+$0xFFFFFFC0];
	[tilespmem:s16+$0x1020 ss:$0x81] =	vst.msk $0xffff, v4;
	s17 =	sadd.s32 $0x80, s17  }
0x2d: {  	s18 =	simm.s32 $0x4;
	s19 =	simm.s32 $0x8;
	s14 =	sor.u32 $0x8000, s14;
	[tilespmem:s16+$0x1830 ss:$0x81] =	vst.msk $0xffff, v5;
	v4 =	vld [tilespmem:s17+$0x30]  }
.LBB1_3:
0x2e: {  	p1 =	sne.s32 s19, $0x1FC;
	v5 =	vld [tilespmem:s17+$0xFFFFFFD0];
	[tilespmem:s16+$0x2040 ss:$0x81] =	vst.msk $0xffff, v1  }
0x2f: {  	v6 =	vld [tilespmem:s17+$0xFFFFFFE0];
	[tilespmem:s16+$0x2850 ss:$0x81] =	vst.msk $0xffff, v2  }
0x30: {  	s20 =	sshra.s32 s18, $0x2;
	s18 =	smov.u32 s19;
	v7 =	vld [tilespmem:s17+$0xFFFFFFF0];
	[tilespmem:s16+$0x3060 ss:$0x81] =	vst.msk $0xffff, v3  }
.Ltmp3:
0x31: {  	v1 =	vld [tilespmem:s17+$0x0];
	[tilespmem:s16+$0x0 ss:$0x81] =	vst.msk $0xffff, v0;
	s16 =	sadd.s32 s20, s15;
	(pc) =	sbr.rel @p1 .LBB1_3-.Ltmp3, $4  }
0x32: {  	v2 =	vld [tilespmem:s17+$0x10];
	[tilespmem:s16+$0x3870 ss:$0x81] =	vst.msk $0xffff, v4  }
0x33: {  	[tilespmem:s16+$0x810 ss:$0x81] =	vst.msk $0xffff, v5;
	v3 =	vld [tilespmem:s17+$0x20]  }
0x34: {  	v0 =	vld [tilespmem:s17+$0xFFFFFFC0];
	[tilespmem:s16+$0x1020 ss:$0x81] =	vst.msk $0xffff, v6;
	s17 =	sadd.s32 $0x80, s17  }
0x35: {  	s19 =	sadd.s32 $0x4, s19;
	v4 =	vld [tilespmem:s17+$0x30];
	[tilespmem:s16+$0x1830 ss:$0x81] =	vst.msk $0xffff, v7  }
0x36: {  	v5 =	vld [tilespmem:s17+$0xFFFFFFD0];
	[tilespmem:s16+$0x2040 ss:$0x81] =	vst.msk $0xffff, v1  }
0x37: {  	v58 =	vld [tilespmem:s17+$0xFFFFFFE0];
	[tilespmem:s16+$0x2850 ss:$0x81] =	vst.msk $0xffff, v2  }
0x38: {  	s18 =	sshra.s32 s18, $0x2;
	v59 =	vld [tilespmem:s17+$0xFFFFFFF0];
	[tilespmem:s16+$0x3060 ss:$0x81] =	vst.msk $0xffff, v3  }
0x39: {  	v60 =	vld [tilespmem:s17+$0x0];
	s15 =	sadd.s32 s18, s15;
	[tilespmem:s16+$0x0 ss:$0x81] =	vst.msk $0xffff, v0  }
0x3a: {  	v61 =	vld [tilespmem:s17+$0x10];
	[tilespmem:s15+$0x3870 ss:$0x81] =	vst.msk $0xffff, v4  }
0x3b: {  	v62 =	vld [tilespmem:s17+$0x20];
	[tilespmem:s15+$0x810 ss:$0x81] =	vst.msk $0xffff, v5  }
0x3c: {  	v63 =	vld [tilespmem:s17+$0xFFFFFFC0];
	[tilespmem:s15+$0x1020 ss:$0x81] =	vst.msk $0xffff, v58  }
0x3d: {  	s13 =	sshll.u32 s13, $0x11;
	s28 =	sand.u32 $0xF80, s11;
	[tilespmem:s15+$0x1830 ss:$0x81] =	vst.msk $0xffff, v59  }
.Ltmp4:
0x3e: {  	s12 =	sshll.u32 s12, $0xC;
	s13 =	sadd.s32 s3, s13;
	[tilespmem:s15+$0x2040 ss:$0x81] =	vst.msk $0xffff, v60;
	(pc) =	sbr.rel .LBB1_5-.Ltmp4, $4  }
0x3f: {  	s29 =	sshrl.u32 s11, $0x3;
	s30 =	sand.u32 $0x7, s11;
	s13 =	sadd.s32 s28, s13;
	[tilespmem:s15+$0x2850 ss:$0x81] =	vst.msk $0xffff, v61  }
0x40: {  	s31 =	sand.u32 $0xF, s29;
	s11 =	sshll.u32 s30, $0x12;
	s12 =	sadd.s32 s12, s13;
	[tilespmem:s15+$0x3060 ss:$0x81] =	vst.msk $0xffff, v62  }
0x41: {  	s11 =	sor.u32 $0x400, s11;
	s12 =	sadd.s32 s31, s12;
	[tilespmem:s15+$0x0 ss:$0x81] =	vst.msk $0xffff, v63  }
0x42: {  	[hbm4b:s12+s11] =	stream.strided.scatter [tilespmem:s14], [sflag:$0x2], $0x4000, s6, s11, $0x20;
	[tilespmem:$0x10100] =	vst v63  }
.LBB1_6:
0x43: {  	_ =	sfence.sel $0x180000  }
0x44: {  	s2 =	simm.s32 $0x1;
	[bflag:$0x0] =	sbarrier.arrive $0xFFFF  }
0x45: {  	s31 =	simm.s32 $0x2;
	[sflag:s2] =	ssyncpa.u1 $0x1  }
0x46: {  	[sflag:s31] =	ssyncpa.u1 $0x1  }
0x47: {  	p0 =	sne.s32 s1, $0x0;
	_ =	strace $0x90000059  }
0x48: {  	s0 =	sadd.s32 @!p0 $0x100000, s0;
	[bflag:$0x2] =	sbarrier.arrive $0xFFFF  }
0x49: {  	[sflag:s0] =	ssyncadd.tile.s32 @!p0 $0x1;
	_ =	shalt  }
.Lfunc_end1:
_tile_overlayer_lowered:
.L_overlay_start_2:
0x4a: {  	(tag) =	ssettag $0x2  }
0x4b: {  	s0 =	rddreg [dreg:$0x0];
	s2 =	stileid.u32  }
0x4c: {  	s1 =	rddreg [dreg:$0x1];
	p0 =	sne.s32 s2, $0x0  }
0x4d: {  	s3 =	rddreg [dreg:$0x2];
	[bflag:$0x3] =	sbarrier.arrive $0xFFFF;
	s2 =	simm.s32 @!p0 $0x1C01  }
0x4e: {  	[timem:s3], [sflag:s2] =	dma.local @!p0 [hbm:s0], s1  }
0x4f: {  	s0 =	simm.s32 @!p0 $0x1  }
0x50: {  	_ =	swait.ge @!p0 [sflag:s0], s1  }
0x51: {  	s1 =	ssub.s32 @!p0 $0x0, s1;
	[sflag:s0] =	ssyncset.done @!p0 $0x0  }
0x52: {  	[sflag:s0] =	ssyncadd.s32 @!p0 s1  }
0x53: {  	[bflag:$0x3] =	sbarrier.arrive $0xFFFF  }
0x54: {  	_ =	shalt  }

</sc_bundles>
